<compile_context>
chip_gen: v7x
topology: tpu7x:2x2x1
jax: 0.10.2.dev20260603
libtpu: 0.0.44.dev20260713+nightly
codegen_flags: <defaults>
</compile_context>

<pallas_src>
import functools

import jax
import jax.numpy as jnp
from jax import lax
from jax.experimental import pallas as pl
from jax.experimental.pallas import tpu as pltpu
from jax.experimental.pallas import tpu_sc as plsc

_LANES = 16


def _round_bf16_bits(f32_arr):
    u = lax.bitcast_convert_type(f32_arr, jnp.uint32)
    return u + jnp.uint32(0x7FFF) + ((u >> 16) & jnp.uint32(1))


def _proj_tc_packed(ea32, w2a, w2b, b2d):
    E2, R2 = ea32.shape
    H = w2a.shape[1]
    BE = 16000
    assert E2 % BE == 0

    def body(ea_ref, wa_ref, wb_ref, b_ref, out_ref):
        pa = jnp.dot(ea_ref[...], wa_ref[...],
                     preferred_element_type=jnp.float32) + b_ref[...]
        pb = jnp.dot(ea_ref[...], wb_ref[...],
                     preferred_element_type=jnp.float32) + b_ref[...]
        lo = _round_bf16_bits(pa) >> 16
        hi = _round_bf16_bits(pb) & jnp.uint32(0xFFFF0000)
        out_ref[...] = hi | lo

    return pl.pallas_call(
        body,
        grid=(E2 // BE,),
        in_specs=[
            pl.BlockSpec((BE, R2), lambda i: (i, 0)),
            pl.BlockSpec((R2, H), lambda i: (0, 0)),
            pl.BlockSpec((R2, H), lambda i: (0, 0)),
            pl.BlockSpec((1, H), lambda i: (0, 0)),
        ],
        out_specs=pl.BlockSpec((BE, H), lambda i: (i, 0)),
        out_shape=jax.ShapeDtypeStruct((E2, H), jnp.uint32),
    )(ea32, w2a, w2b, b2d)


def _sc_combine(src, dst, projp, x):
    E = src.shape[0]
    V, H = x.shape
    info = plsc.get_sparse_core_info()
    NC, NS = info.num_cores, info.num_subcores
    NW = NC * NS
    assert E % NW == 0
    epw = E // NW
    B = 80
    assert epw % B == 0 and B % 16 == 0
    nblk = epw // B
    assert nblk % 2 == 1
    HC = H // _LANES

    mesh = plsc.VectorSubcoreMesh(core_axis_name="c", subcore_axis_name="s")

    @functools.partial(
        pl.kernel,
        mesh=mesh,
        out_type=jax.ShapeDtypeStruct((E, H), jnp.float32),
        scratch_types=(
            [pltpu.VMEM((B,), jnp.int32) for _ in range(4)]
            + [pltpu.VMEM((B, H), jnp.float32) for _ in range(4)]
            + [pltpu.VMEM((B // 2, H), jnp.uint32) for _ in range(2)]
            + [pltpu.VMEM((B, H), jnp.float32) for _ in range(2)]
            + [pltpu.SemaphoreType.DMA for _ in range(12)]
        ),
    )
    def k(src_hbm, dst_hbm, proj_hbm, x_hbm, out_hbm,
          is0, is1, id0, id1, xi0, xi1, xj0, xj1, pr0, pr1, ob0, ob1,
          sis0, sis1, sid0, sid1, sgi0, sgi1, sgj0, sgj1, spr0, spr1,
          sou0, sou1):
        idx_s, idx_d = (is0, is1), (id0, id1)
        xi, xj, pr, ob = (xi0, xi1), (xj0, xj1), (pr0, pr1), (ob0, ob1)
        sis, sid = (sis0, sis1), (sid0, sid1)
        sgi, sgj, spr, sou = (sgi0, sgi1), (sgj0, sgj1), (spr0, spr1), (sou0, sou1)

        wid = lax.axis_index("s") * NC + lax.axis_index("c")
        wbase = wid * epw

        def issue_idx(g, p):
            base = wbase + g * B
            pltpu.async_copy(src_hbm.at[pl.ds(base, B)], idx_s[p], sis[p])
            pltpu.async_copy(dst_hbm.at[pl.ds(base, B)], idx_d[p], sid[p])

        def wait_idx(p):
            pltpu.make_async_copy(src_hbm.at[pl.ds(0, B)], idx_s[p], sis[p]).wait()
            pltpu.make_async_copy(dst_hbm.at[pl.ds(0, B)], idx_d[p], sid[p]).wait()

        def issue_fetch(g, p):
            base = wbase + g * B
            pltpu.async_copy(x_hbm.at[idx_s[p]], xi[p], sgi[p])
            pltpu.async_copy(x_hbm.at[idx_d[p]], xj[p], sgj[p])
            pltpu.async_copy(
                proj_hbm.at[pl.ds(pl.multiple_of(base // 2, 8), B // 2), :],
                pr[p], spr[p])

        def wait_fetch(p):
            pltpu.make_async_copy(x_hbm.at[idx_s[p]], xi[p], sgi[p]).wait()
            pltpu.make_async_copy(x_hbm.at[idx_d[p]], xj[p], sgj[p]).wait()
            pltpu.make_async_copy(
                proj_hbm.at[pl.ds(0, B // 2), :], pr[p], spr[p]).wait()

        def issue_out(g, p):
            base = wbase + g * B
            pltpu.async_copy(ob[p], out_hbm.at[pl.ds(base, B), :], sou[p])

        def wait_out(p):
            pltpu.make_async_copy(ob[p], out_hbm.at[pl.ds(0, B), :], sou[p]).wait()

        def combine(p):
            xi_p, xj_p, pr_p, ob_p = xi[p], xj[p], pr[p], ob[p]

            def pair_rows(rp, c2):
                ea = rp * 2
                eb = rp * 2 + 1
                for c in range(HC):
                    s = pl.ds(c * _LANES, _LANES)
                    pi = pr_p[rp, s]
                    pa = lax.bitcast_convert_type(
                        jnp.left_shift(pi, 16), jnp.float32)
                    pb = lax.bitcast_convert_type(
                        jnp.bitwise_and(pi, jnp.uint32(0xFFFF0000)),
                        jnp.float32)
                    ob_p[ea, s] = (xi_p[ea, s] + xj_p[ea, s]) * pa
                    ob_p[eb, s] = (xi_p[eb, s] + xj_p[eb, s]) * pb
                return c2

            lax.fori_loop(0, B // 2, pair_rows, 0)

        def step(g, p):
            wait_fetch(p)
            wait_idx(1 - p)
            issue_fetch(g + 1, 1 - p)
            pl.when(g + 2 <= nblk - 1)(lambda: issue_idx(g + 2, p))
            pl.when(g >= 2)(lambda: wait_out(p))
            combine(p)
            issue_out(g, p)

        issue_idx(0, 0)
        wait_idx(0)
        issue_fetch(0, 0)
        issue_idx(1, 1)

        def pair(i, carry):
            step(2 * i, 0)
            step(2 * i + 1, 1)
            return carry

        lax.fori_loop(0, (nblk - 1) // 2, pair, 0)

        g_last = nblk - 1
        wait_fetch(0)
        wait_out(0)
        combine(0)
        issue_out(g_last, 0)
        wait_out(1)
        wait_out(0)

    return k(src, dst, projp, x)


def kernel(edge_index, edge_attr, x, W, b):
    src = edge_index[0].astype(jnp.int32)
    dst = edge_index[1].astype(jnp.int32)
    H, R = W.shape
    E = edge_attr.shape[0]
    Wt = W.T
    zeros = jnp.zeros_like(Wt)
    w2a = jnp.concatenate([Wt, zeros], axis=0)
    w2b = jnp.concatenate([zeros, Wt], axis=0)
    ea32 = edge_attr.reshape(E // 2, 2 * R)
    projp = _proj_tc_packed(ea32, w2a, w2b, b.reshape(1, H))
    return _sc_combine(src, dst, projp, x)

# --- scband reference (transcript-rebuilt; emitter-appended) ---
"""Pipeline reference for scband-edge-embedding-52063593562437 (READ-ONLY COPY).

The authoritative reference and input builder live on the scoring server;
editing this copy changes nothing except your own understanding.
"""

import jax, jax.numpy as jnp
import numpy as np

NUM_RBF = 16
HIDDEN = 128
N_NODES = 10000
N_EDGES = 320000

def setup_inputs(seed: int = 0) -> dict:
    key = jax.random.key(seed)
    k1, k2, k3, k4, k5 = jax.random.split(key, 5)
    edge_index = jax.random.randint(k1, (2, N_EDGES), 0, N_NODES, dtype=jnp.int64) if jax.config.jax_enable_x64 else jax.random.randint(k1, (2, N_EDGES), 0, N_NODES).astype(jnp.int32)
    edge_attr = jax.random.normal(k2, (N_EDGES, NUM_RBF), dtype=jnp.float32)
    x = jax.random.normal(k3, (N_NODES, HIDDEN), dtype=jnp.float32)
    # Linear(num_rbf, hidden_channels): weight [hidden, num_rbf] xavier_uniform, bias zeros
    limit = float(np.sqrt(6.0 / (NUM_RBF + HIDDEN)))
    W = jax.random.uniform(k4, (HIDDEN, NUM_RBF), minval=-limit, maxval=limit, dtype=jnp.float32)
    b = jnp.zeros((HIDDEN,), dtype=jnp.float32)
    return {"edge_index": edge_index, "edge_attr": edge_attr, "x": x, "W": W, "b": b}

def reference(edge_index, edge_attr, x, W, b):
    # x_j = x[edge_index[0]]; x_i = x[edge_index[1]]
    x_j = jnp.take(x, edge_index[0], axis=0)
    x_i = jnp.take(x, edge_index[1], axis=0)
    proj = edge_attr @ W.T + b
    return (x_i + x_j) * proj

if __name__ == "__main__":
    import jax
    _d = setup_inputs()
    print(jax.jit(kernel)(*tuple(_d.values())))

</pallas_src>

<mosaic_0001>
#map = affine_map<(d0, d1) -> (0)>
#map1 = affine_map<(d0, d1) -> (0, 0)>
module attributes {stable_mosaic.version = 14 : i64} {
  func.func @k(%arg0: i32, %arg1: i32, %arg2: memref<320000xi32, #tpu.memory_space<hbm>>, %arg3: memref<320000xi32, #tpu.memory_space<hbm>>, %arg4: memref<160000x128xi32, #tpu.memory_space<hbm>>, %arg5: memref<10000x128xf32, #tpu.memory_space<hbm>>, %arg6: memref<320000x128xf32, #tpu.memory_space<hbm>>, %arg7: memref<80xi32, #tpu.memory_space<vmem>>, %arg8: memref<80xi32, #tpu.memory_space<vmem>>, %arg9: memref<80xi32, #tpu.memory_space<vmem>>, %arg10: memref<80xi32, #tpu.memory_space<vmem>>, %arg11: memref<80x128xf32, #tpu.memory_space<vmem>>, %arg12: memref<80x128xf32, #tpu.memory_space<vmem>>, %arg13: memref<80x128xf32, #tpu.memory_space<vmem>>, %arg14: memref<80x128xf32, #tpu.memory_space<vmem>>, %arg15: memref<40x128xi32, #tpu.memory_space<vmem>>, %arg16: memref<40x128xi32, #tpu.memory_space<vmem>>, %arg17: memref<80x128xf32, #tpu.memory_space<vmem>>, %arg18: memref<80x128xf32, #tpu.memory_space<vmem>>, %arg19: memref<!tpu.dma_semaphore, #tpu.memory_space<semaphore_mem>>, %arg20: memref<!tpu.dma_semaphore, #tpu.memory_space<semaphore_mem>>, %arg21: memref<!tpu.dma_semaphore, #tpu.memory_space<semaphore_mem>>, %arg22: memref<!tpu.dma_semaphore, #tpu.memory_space<semaphore_mem>>, %arg23: memref<!tpu.dma_semaphore, #tpu.memory_space<semaphore_mem>>, %arg24: memref<!tpu.dma_semaphore, #tpu.memory_space<semaphore_mem>>, %arg25: memref<!tpu.dma_semaphore, #tpu.memory_space<semaphore_mem>>, %arg26: memref<!tpu.dma_semaphore, #tpu.memory_space<semaphore_mem>>, %arg27: memref<!tpu.dma_semaphore, #tpu.memory_space<semaphore_mem>>, %arg28: memref<!tpu.dma_semaphore, #tpu.memory_space<semaphore_mem>>, %arg29: memref<!tpu.dma_semaphore, #tpu.memory_space<semaphore_mem>>, %arg30: memref<!tpu.dma_semaphore, #tpu.memory_space<semaphore_mem>>) attributes {dimension_semantics = [#tpu.dimension_semantics<core_parallel>, #tpu.dimension_semantics<subcore_parallel>], iteration_bounds = array<i64: 2, 16>, scalar_prefetch = 0 : i64, scratch_operands = 24 : i64, tpu.core_type = #tpu.core_type<sc_vector_subcore>, window_params = [{transform_indices = #map}, {transform_indices = #map}, {transform_indices = #map1}, {transform_indices = #map1}, {transform_indices = #map1}]} {
    %mul3A = arith.constant 2 : i32
    %mul3A_0 = arith.muli %arg1, %mul3A : i32
    %add3A = arith.addi %mul3A_0, %arg0 : i32
    %mul3A_1 = arith.constant 10000 : i32
    %mul3A_2 = arith.muli %add3A, %mul3A_1 : i32
    %add3A_3 = arith.constant 0 : i32
    %add3A_4 = arith.addi %mul3A_2, %add3A_3 : i32
    %dma_start3A = tpu.memref_slice %arg2[%add3A_4] : memref<320000xi32, #tpu.memory_space<hbm>> -> memref<80xi32, #tpu.memory_space<hbm>>
    %dma_start3A_5 = tpu.memref_slice %arg2[%add3A_4] : memref<320000xi32, #tpu.memory_space<hbm>> -> memref<80xi32, #tpu.memory_space<hbm>>
    tpu.enqueue_dma source(%dma_start3A_5 : memref<80xi32, #tpu.memory_space<hbm>>) target(%arg7 : memref<80xi32, #tpu.memory_space<vmem>>) target_semaphore(%arg19 : memref<!tpu.dma_semaphore, #tpu.memory_space<semaphore_mem>>)
    %dma_start3A_6 = tpu.memref_slice %arg3[%add3A_4] : memref<320000xi32, #tpu.memory_space<hbm>> -> memref<80xi32, #tpu.memory_space<hbm>>
    %dma_start3A_7 = tpu.memref_slice %arg3[%add3A_4] : memref<320000xi32, #tpu.memory_space<hbm>> -> memref<80xi32, #tpu.memory_space<hbm>>
    tpu.enqueue_dma source(%dma_start3A_7 : memref<80xi32, #tpu.memory_space<hbm>>) target(%arg9 : memref<80xi32, #tpu.memory_space<vmem>>) target_semaphore(%arg21 : memref<!tpu.dma_semaphore, #tpu.memory_space<semaphore_mem>>)
    %dma_wait3A = arith.constant 0 : i32
    %dma_wait3A_8 = tpu.memref_slice %arg2[%dma_wait3A] : memref<320000xi32, #tpu.memory_space<hbm>> -> memref<80xi32, #tpu.memory_space<hbm>>
    %dma_wait3A_9 = arith.constant 0 : i32
    %dma_wait3A_10 = tpu.memref_slice %arg2[%dma_wait3A_9] : memref<320000xi32, #tpu.memory_space<hbm>> -> memref<80xi32, #tpu.memory_space<hbm>>
    tpu.wait_dma2 semaphore(%arg19 : memref<!tpu.dma_semaphore, #tpu.memory_space<semaphore_mem>>) src(%dma_wait3A_10 : memref<80xi32, #tpu.memory_space<hbm>>) dst(%arg7 : memref<80xi32, #tpu.memory_space<vmem>>)
    %dma_wait3A_11 = arith.constant 0 : i32
    %dma_wait3A_12 = tpu.memref_slice %arg3[%dma_wait3A_11] : memref<320000xi32, #tpu.memory_space<hbm>> -> memref<80xi32, #tpu.memory_space<hbm>>
    %dma_wait3A_13 = arith.constant 0 : i32
    %dma_wait3A_14 = tpu.memref_slice %arg3[%dma_wait3A_13] : memref<320000xi32, #tpu.memory_space<hbm>> -> memref<80xi32, #tpu.memory_space<hbm>>
    tpu.wait_dma2 semaphore(%arg21 : memref<!tpu.dma_semaphore, #tpu.memory_space<semaphore_mem>>) src(%dma_wait3A_14 : memref<80xi32, #tpu.memory_space<hbm>>) dst(%arg9 : memref<80xi32, #tpu.memory_space<vmem>>)
    %add3A_15 = arith.constant 0 : i32
    %add3A_16 = arith.addi %mul3A_2, %add3A_15 : i32
    %dma_start3A_17 = arith.constant 0 : i32
    %dma_start3A_18 = arith.constant 0 : i32
    %dma_start3A_19 = tpu.memref_slice %arg5[%dma_start3A_17, %dma_start3A_18] : memref<10000x128xf32, #tpu.memory_space<hbm>> -> memref<10000x128xf32, #tpu.memory_space<hbm>>
    tpu.enqueue_indirect_dma source(%dma_start3A_19 : memref<10000x128xf32, #tpu.memory_space<hbm>>) target(%arg11 : memref<80x128xf32, #tpu.memory_space<vmem>>) offsets(%arg7 : memref<80xi32, #tpu.memory_space<vmem>>) semaphore(%arg23 : memref<!tpu.dma_semaphore, #tpu.memory_space<semaphore_mem>>)
    %dma_start3A_20 = arith.constant 0 : i32
    %dma_start3A_21 = arith.constant 0 : i32
    %dma_start3A_22 = tpu.memref_slice %arg5[%dma_start3A_20, %dma_start3A_21] : memref<10000x128xf32, #tpu.memory_space<hbm>> -> memref<10000x128xf32, #tpu.memory_space<hbm>>
    tpu.enqueue_indirect_dma source(%dma_start3A_22 : memref<10000x128xf32, #tpu.memory_space<hbm>>) target(%arg13 : memref<80x128xf32, #tpu.memory_space<vmem>>) offsets(%arg9 : memref<80xi32, #tpu.memory_space<vmem>>) semaphore(%arg25 : memref<!tpu.dma_semaphore, #tpu.memory_space<semaphore_mem>>)
    %jit3A = arith.constant 2 : i32
    %div3A = arith.divsi %add3A_16, %jit3A : i32
    %sign3A = arith.constant 0 : i32
    %sign3A_23 = arith.cmpi sgt, %add3A_16, %sign3A : i32
    %sign3A_24 = arith.extui %sign3A_23 : i1 to i32
    %sign3A_25 = arith.constant 0 : i32
    %sign3A_26 = arith.cmpi slt, %add3A_16, %sign3A_25 : i32
    %sign3A_27 = arith.extui %sign3A_26 : i1 to i32
    %sign3A_28 = arith.subi %sign3A_24, %sign3A_27 : i32
    %sign3A_29 = arith.constant 0 : i32
    %sign3A_30 = arith.cmpi sgt, %jit3A, %sign3A_29 : i32
    %sign3A_31 = arith.extui %sign3A_30 : i1 to i32
    %sign3A_32 = arith.constant 0 : i32
    %sign3A_33 = arith.cmpi slt, %jit3A, %sign3A_32 : i32
    %sign3A_34 = arith.extui %sign3A_33 : i1 to i32
    %sign3A_35 = arith.subi %sign3A_31, %sign3A_34 : i32
    %ne3A = arith.cmpi ne, %sign3A_28, %sign3A_35 : i32
    %rem3A = arith.remsi %add3A_16, %jit3A : i32
    %ne3A_36 = arith.constant 0 : i32
    %ne3A_37 = arith.cmpi ne, %rem3A, %ne3A_36 : i32
    %and3A = arith.andi %ne3A, %ne3A_37 : i1
    %sub3A = arith.constant 1 : i32
    %sub3A_38 = arith.subi %div3A, %sub3A : i32
    %select_n3A = arith.select %and3A, %sub3A_38, %div3A : i32
    %multiple_of3A = tpu.assume_multiple %select_n3A, 8 : i32
    %dma_start3A_39 = arith.constant 0 : i32
    %dma_start3A_40 = tpu.memref_slice %arg4[%multiple_of3A, %dma_start3A_39] : memref<160000x128xi32, #tpu.memory_space<hbm>> -> memref<40x128xi32, #tpu.memory_space<hbm>>
    %dma_start3A_41 = arith.constant 0 : i32
    %dma_start3A_42 = tpu.memref_slice %arg4[%multiple_of3A, %dma_start3A_41] : memref<160000x128xi32, #tpu.memory_space<hbm>> -> memref<40x128xi32, #tpu.memory_space<hbm>>
    tpu.enqueue_dma source(%dma_start3A_42 : memref<40x128xi32, #tpu.memory_space<hbm>>) target(%arg15 : memref<40x128xi32, #tpu.memory_space<vmem>>) target_semaphore(%arg27 : memref<!tpu.dma_semaphore, #tpu.memory_space<semaphore_mem>>)
    %add3A_43 = arith.constant 80 : i32
    %add3A_44 = arith.addi %mul3A_2, %add3A_43 : i32
    %dma_start3A_45 = tpu.memref_slice %arg2[%add3A_44] : memref<320000xi32, #tpu.memory_space<hbm>> -> memref<80xi32, #tpu.memory_space<hbm>>
    %dma_start3A_46 = tpu.memref_slice %arg2[%add3A_44] : memref<320000xi32, #tpu.memory_space<hbm>> -> memref<80xi32, #tpu.memory_space<hbm>>
    tpu.enqueue_dma source(%dma_start3A_46 : memref<80xi32, #tpu.memory_space<hbm>>) target(%arg8 : memref<80xi32, #tpu.memory_space<vmem>>) target_semaphore(%arg20 : memref<!tpu.dma_semaphore, #tpu.memory_space<semaphore_mem>>)
    %dma_start3A_47 = tpu.memref_slice %arg3[%add3A_44] : memref<320000xi32, #tpu.memory_space<hbm>> -> memref<80xi32, #tpu.memory_space<hbm>>
    %dma_start3A_48 = tpu.memref_slice %arg3[%add3A_44] : memref<320000xi32, #tpu.memory_space<hbm>> -> memref<80xi32, #tpu.memory_space<hbm>>
    tpu.enqueue_dma source(%dma_start3A_48 : memref<80xi32, #tpu.memory_space<hbm>>) target(%arg10 : memref<80xi32, #tpu.memory_space<vmem>>) target_semaphore(%arg22 : memref<!tpu.dma_semaphore, #tpu.memory_space<semaphore_mem>>)
    %scan3A = arith.constant 0 : i32
    %scan3A_49 = arith.constant 0 : i32
    %scan3A_50 = arith.constant 62 : i32
    %scan3A_51 = arith.addi %scan3A_49, %scan3A_50 : i32
    %scan3A_52 = arith.constant 1 : i32
    scf.for %scan3A_96 = %scan3A_49 to %scan3A_51 step %scan3A_52  : i32 {
      %mul3A_97 = arith.constant 2 : i32
      %mul3A_98 = arith.muli %mul3A_97, %scan3A_96 : i32
      %dma_wait3A_99 = arith.constant 0 : i32
      %dma_wait3A_100 = arith.constant 0 : i32
      %dma_wait3A_101 = tpu.memref_slice %arg5[%dma_wait3A_99, %dma_wait3A_100] : memref<10000x128xf32, #tpu.memory_space<hbm>> -> memref<10000x128xf32, #tpu.memory_space<hbm>>
      tpu.wait_indirect_dma semaphore(%arg23 : memref<!tpu.dma_semaphore, #tpu.memory_space<semaphore_mem>>) src(%dma_wait3A_101 : memref<10000x128xf32, #tpu.memory_space<hbm>>) dst(%arg11 : memref<80x128xf32, #tpu.memory_space<vmem>>)
      %dma_wait3A_102 = arith.constant 0 : i32
      %dma_wait3A_103 = arith.constant 0 : i32
      %dma_wait3A_104 = tpu.memref_slice %arg5[%dma_wait3A_102, %dma_wait3A_103] : memref<10000x128xf32, #tpu.memory_space<hbm>> -> memref<10000x128xf32, #tpu.memory_space<hbm>>
      tpu.wait_indirect_dma semaphore(%arg25 : memref<!tpu.dma_semaphore, #tpu.memory_space<semaphore_mem>>) src(%dma_wait3A_104 : memref<10000x128xf32, #tpu.memory_space<hbm>>) dst(%arg13 : memref<80x128xf32, #tpu.memory_space<vmem>>)
      %dma_wait3A_105 = arith.constant 0 : i32
      %dma_wait3A_106 = arith.constant 0 : i32
      %dma_wait3A_107 = tpu.memref_slice %arg4[%dma_wait3A_105, %dma_wait3A_106] : memref<160000x128xi32, #tpu.memory_space<hbm>> -> memref<40x128xi32, #tpu.memory_space<hbm>>
      %dma_wait3A_108 = arith.constant 0 : i32
      %dma_wait3A_109 = arith.constant 0 : i32
      %dma_wait3A_110 = tpu.memref_slice %arg4[%dma_wait3A_108, %dma_wait3A_109] : memref<160000x128xi32, #tpu.memory_space<hbm>> -> memref<40x128xi32, #tpu.memory_space<hbm>>
      tpu.wait_dma2 semaphore(%arg27 : memref<!tpu.dma_semaphore, #tpu.memory_space<semaphore_mem>>) src(%dma_wait3A_110 : memref<40x128xi32, #tpu.memory_space<hbm>>) dst(%arg15 : memref<40x128xi32, #tpu.memory_space<vmem>>)
      %dma_wait3A_111 = arith.constant 0 : i32
      %dma_wait3A_112 = tpu.memref_slice %arg2[%dma_wait3A_111] : memref<320000xi32, #tpu.memory_space<hbm>> -> memref<80xi32, #tpu.memory_space<hbm>>
      %dma_wait3A_113 = arith.constant 0 : i32
      %dma_wait3A_114 = tpu.memref_slice %arg2[%dma_wait3A_113] : memref<320000xi32, #tpu.memory_space<hbm>> -> memref<80xi32, #tpu.memory_space<hbm>>
      tpu.wait_dma2 semaphore(%arg20 : memref<!tpu.dma_semaphore, #tpu.memory_space<semaphore_mem>>) src(%dma_wait3A_114 : memref<80xi32, #tpu.memory_space<hbm>>) dst(%arg8 : memref<80xi32, #tpu.memory_space<vmem>>)
      %dma_wait3A_115 = arith.constant 0 : i32
      %dma_wait3A_116 = tpu.memref_slice %arg3[%dma_wait3A_115] : memref<320000xi32, #tpu.memory_space<hbm>> -> memref<80xi32, #tpu.memory_space<hbm>>
      %dma_wait3A_117 = arith.constant 0 : i32
      %dma_wait3A_118 = tpu.memref_slice %arg3[%dma_wait3A_117] : memref<320000xi32, #tpu.memory_space<hbm>> -> memref<80xi32, #tpu.memory_space<hbm>>
      tpu.wait_dma2 semaphore(%arg22 : memref<!tpu.dma_semaphore, #tpu.memory_space<semaphore_mem>>) src(%dma_wait3A_118 : memref<80xi32, #tpu.memory_space<hbm>>) dst(%arg10 : memref<80xi32, #tpu.memory_space<vmem>>)
      %add3A_119 = arith.constant 1 : i32
      %add3A_120 = arith.addi %mul3A_98, %add3A_119 : i32
      %mul3A_121 = arith.constant 80 : i32
      %mul3A_122 = arith.muli %add3A_120, %mul3A_121 : i32
      %add3A_123 = arith.addi %mul3A_2, %mul3A_122 : i32
      %dma_start3A_124 = arith.constant 0 : i32
      %dma_start3A_125 = arith.constant 0 : i32
      %dma_start3A_126 = tpu.memref_slice %arg5[%dma_start3A_124, %dma_start3A_125] : memref<10000x128xf32, #tpu.memory_space<hbm>> -> memref<10000x128xf32, #tpu.memory_space<hbm>>
      tpu.enqueue_indirect_dma source(%dma_start3A_126 : memref<10000x128xf32, #tpu.memory_space<hbm>>) target(%arg12 : memref<80x128xf32, #tpu.memory_space<vmem>>) offsets(%arg8 : memref<80xi32, #tpu.memory_space<vmem>>) semaphore(%arg24 : memref<!tpu.dma_semaphore, #tpu.memory_space<semaphore_mem>>)
      %dma_start3A_127 = arith.constant 0 : i32
      %dma_start3A_128 = arith.constant 0 : i32
      %dma_start3A_129 = tpu.memref_slice %arg5[%dma_start3A_127, %dma_start3A_128] : memref<10000x128xf32, #tpu.memory_space<hbm>> -> memref<10000x128xf32, #tpu.memory_space<hbm>>
      tpu.enqueue_indirect_dma source(%dma_start3A_129 : memref<10000x128xf32, #tpu.memory_space<hbm>>) target(%arg14 : memref<80x128xf32, #tpu.memory_space<vmem>>) offsets(%arg10 : memref<80xi32, #tpu.memory_space<vmem>>) semaphore(%arg26 : memref<!tpu.dma_semaphore, #tpu.memory_space<semaphore_mem>>)
      %jit3A_130 = arith.constant 2 : i32
      %div3A_131 = arith.divsi %add3A_123, %jit3A_130 : i32
      %sign3A_132 = arith.constant 0 : i32
      %sign3A_133 = arith.cmpi sgt, %add3A_123, %sign3A_132 : i32
      %sign3A_134 = arith.extui %sign3A_133 : i1 to i32
      %sign3A_135 = arith.constant 0 : i32
      %sign3A_136 = arith.cmpi slt, %add3A_123, %sign3A_135 : i32
      %sign3A_137 = arith.extui %sign3A_136 : i1 to i32
      %sign3A_138 = arith.subi %sign3A_134, %sign3A_137 : i32
      %sign3A_139 = arith.constant 0 : i32
      %sign3A_140 = arith.cmpi sgt, %jit3A_130, %sign3A_139 : i32
      %sign3A_141 = arith.extui %sign3A_140 : i1 to i32
      %sign3A_142 = arith.constant 0 : i32
      %sign3A_143 = arith.cmpi slt, %jit3A_130, %sign3A_142 : i32
      %sign3A_144 = arith.extui %sign3A_143 : i1 to i32
      %sign3A_145 = arith.subi %sign3A_141, %sign3A_144 : i32
      %ne3A_146 = arith.cmpi ne, %sign3A_138, %sign3A_145 : i32
      %rem3A_147 = arith.remsi %add3A_123, %jit3A_130 : i32
      %ne3A_148 = arith.constant 0 : i32
      %ne3A_149 = arith.cmpi ne, %rem3A_147, %ne3A_148 : i32
      %and3A_150 = arith.andi %ne3A_146, %ne3A_149 : i1
      %sub3A_151 = arith.constant 1 : i32
      %sub3A_152 = arith.subi %div3A_131, %sub3A_151 : i32
      %select_n3A_153 = arith.select %and3A_150, %sub3A_152, %div3A_131 : i32
      %multiple_of3A_154 = tpu.assume_multiple %select_n3A_153, 8 : i32
      %dma_start3A_155 = arith.constant 0 : i32
      %dma_start3A_156 = tpu.memref_slice %arg4[%multiple_of3A_154, %dma_start3A_155] : memref<160000x128xi32, #tpu.memory_space<hbm>> -> memref<40x128xi32, #tpu.memory_space<hbm>>
      %dma_start3A_157 = arith.constant 0 : i32
      %dma_start3A_158 = tpu.memref_slice %arg4[%multiple_of3A_154, %dma_start3A_157] : memref<160000x128xi32, #tpu.memory_space<hbm>> -> memref<40x128xi32, #tpu.memory_space<hbm>>
      tpu.enqueue_dma source(%dma_start3A_158 : memref<40x128xi32, #tpu.memory_space<hbm>>) target(%arg16 : memref<40x128xi32, #tpu.memory_space<vmem>>) target_semaphore(%arg28 : memref<!tpu.dma_semaphore, #tpu.memory_space<semaphore_mem>>)
      %add3A_159 = arith.constant 2 : i32
      %add3A_160 = arith.addi %mul3A_98, %add3A_159 : i32
      %le3A = arith.constant 124 : i32
      %le3A_161 = arith.cmpi sle, %add3A_160, %le3A : i32
      %convert_element_type3A = arith.extui %le3A_161 : i1 to i32
      %cond3A = arith.constant 0 : i32
      %cond3A_162 = arith.cmpi ne, %convert_element_type3A, %cond3A : i32
      scf.if %cond3A_162 {
        %add3A_269 = arith.constant 2 : i32
        %add3A_270 = arith.addi %mul3A_98, %add3A_269 : i32
        %mul3A_271 = arith.constant 80 : i32
        %mul3A_272 = arith.muli %add3A_270, %mul3A_271 : i32
        %add3A_273 = arith.addi %mul3A_2, %mul3A_272 : i32
        %dma_start3A_274 = tpu.memref_slice %arg2[%add3A_273] : memref<320000xi32, #tpu.memory_space<hbm>> -> memref<80xi32, #tpu.memory_space<hbm>>
        %dma_start3A_275 = tpu.memref_slice %arg2[%add3A_273] : memref<320000xi32, #tpu.memory_space<hbm>> -> memref<80xi32, #tpu.memory_space<hbm>>
        tpu.enqueue_dma source(%dma_start3A_275 : memref<80xi32, #tpu.memory_space<hbm>>) target(%arg7 : memref<80xi32, #tpu.memory_space<vmem>>) target_semaphore(%arg19 : memref<!tpu.dma_semaphore, #tpu.memory_space<semaphore_mem>>)
        %dma_start3A_276 = tpu.memref_slice %arg3[%add3A_273] : memref<320000xi32, #tpu.memory_space<hbm>> -> memref<80xi32, #tpu.memory_space<hbm>>
        %dma_start3A_277 = tpu.memref_slice %arg3[%add3A_273] : memref<320000xi32, #tpu.memory_space<hbm>> -> memref<80xi32, #tpu.memory_space<hbm>>
        tpu.enqueue_dma source(%dma_start3A_277 : memref<80xi32, #tpu.memory_space<hbm>>) target(%arg9 : memref<80xi32, #tpu.memory_space<vmem>>) target_semaphore(%arg21 : memref<!tpu.dma_semaphore, #tpu.memory_space<semaphore_mem>>)
      } else {
      }
      %ge3A = arith.constant 2 : i32
      %ge3A_163 = arith.cmpi sge, %mul3A_98, %ge3A : i32
      %convert_element_type3A_164 = arith.extui %ge3A_163 : i1 to i32
      %cond3A_165 = arith.constant 0 : i32
      %cond3A_166 = arith.cmpi ne, %convert_element_type3A_164, %cond3A_165 : i32
      scf.if %cond3A_166 {
        %dma_wait3A_269 = arith.constant 0 : i32
        %dma_wait3A_270 = arith.constant 0 : i32
        %dma_wait3A_271 = tpu.memref_slice %arg6[%dma_wait3A_269, %dma_wait3A_270] : memref<320000x128xf32, #tpu.memory_space<hbm>> -> memref<80x128xf32, #tpu.memory_space<hbm>>
        %dma_wait3A_272 = arith.constant 0 : i32
        %dma_wait3A_273 = arith.constant 0 : i32
        %dma_wait3A_274 = tpu.memref_slice %arg6[%dma_wait3A_272, %dma_wait3A_273] : memref<320000x128xf32, #tpu.memory_space<hbm>> -> memref<80x128xf32, #tpu.memory_space<hbm>>
        tpu.wait_dma2 semaphore(%arg29 : memref<!tpu.dma_semaphore, #tpu.memory_space<semaphore_mem>>) src(%arg17 : memref<80x128xf32, #tpu.memory_space<vmem>>) dst(%dma_wait3A_274 : memref<80x128xf32, #tpu.memory_space<hbm>>)
      } else {
      }
      %scan3A_167 = arith.constant 0 : i32
      %scan3A_168 = arith.constant 0 : i32
      %scan3A_169 = arith.constant 40 : i32
      %scan3A_170 = arith.addi %scan3A_168, %scan3A_169 : i32
      %scan3A_171 = arith.constant 1 : i32
      scf.for %scan3A_269 = %scan3A_168 to %scan3A_170 step %scan3A_171  : i32 {
        %mul3A_270 = arith.constant 2 : i32
        %mul3A_271 = arith.muli %scan3A_269, %mul3A_270 : i32
        %mul3A_272 = arith.constant 2 : i32
        %mul3A_273 = arith.muli %scan3A_269, %mul3A_272 : i32
        %add3A_274 = arith.constant 1 : i32
        %add3A_275 = arith.addi %mul3A_273, %add3A_274 : i32
        %get3A = arith.index_cast %scan3A_269 : i32 to index
        %get3A_276 = arith.constant 0 : index
        %get3A_277 = tpu.vector_load %arg15[%get3A, %get3A_276] {strides = array<i32>} : memref<40x128xi32, #tpu.memory_space<vmem>>, vector<1x16xi32>,
        %get3A_278 = vector.shape_cast %get3A_277 : vector<1x16xi32> to vector<16xi32>
        %shift_left3A = arith.constant 16 : i32
        %shift_left3A_279 = vector.broadcast %shift_left3A : i32 to vector<16xi32>
        %shift_left3A_280 = arith.shli %get3A_278, %shift_left3A_279 : vector<16xi32>
        %bitcast_convert_type3A = tpu.bitcast %shift_left3A_280 : vector<16xi32> -> vector<16xf32>
        %and3A_281 = arith.constant -65536 : i32
        %and3A_282 = vector.broadcast %and3A_281 : i32 to vector<16xi32>
        %and3A_283 = arith.andi %get3A_278, %and3A_282 : vector<16xi32>
        %bitcast_convert_type3A_284 = tpu.bitcast %and3A_283 : vector<16xi32> -> vector<16xf32>
        %get3A_285 = arith.index_cast %mul3A_271 : i32 to index
        %get3A_286 = arith.constant 0 : index
        %get3A_287 = tpu.vector_load %arg11[%get3A_285, %get3A_286] {strides = array<i32>} : memref<80x128xf32, #tpu.memory_space<vmem>>, vector<1x16xf32>,
        %get3A_288 = vector.shape_cast %get3A_287 : vector<1x16xf32> to vector<16xf32>
        %get3A_289 = arith.index_cast %mul3A_271 : i32 to index
        %get3A_290 = arith.constant 0 : index
        %get3A_291 = tpu.vector_load %arg13[%get3A_289, %get3A_290] {strides = array<i32>} : memref<80x128xf32, #tpu.memory_space<vmem>>, vector<1x16xf32>,
        %get3A_292 = vector.shape_cast %get3A_291 : vector<1x16xf32> to vector<16xf32>
        %add3A_293 = arith.addf %get3A_288, %get3A_292 : vector<16xf32>
        %mul3A_294 = arith.mulf %add3A_293, %bitcast_convert_type3A : vector<16xf32>
        %swap3A = arith.index_cast %mul3A_271 : i32 to index
        %swap3A_295 = arith.constant 0 : index
        %swap3A_296 = tpu.vector_load %arg17[%swap3A, %swap3A_295] {strides = array<i32>} : memref<80x128xf32, #tpu.memory_space<vmem>>, vector<1x16xf32>,
        %swap3A_297 = vector.shape_cast %swap3A_296 : vector<1x16xf32> to vector<16xf32>
        %swap3A_298 = vector.shape_cast %mul3A_294 : vector<16xf32> to vector<1x16xf32>
        tpu.vector_store %arg17[%swap3A, %swap3A_295], %swap3A_298 {strides = array<i32>} : memref<80x128xf32, #tpu.memory_space<vmem>>, vector<1x16xf32>,
        %get3A_299 = arith.index_cast %add3A_275 : i32 to index
        %get3A_300 = arith.constant 0 : index
        %get3A_301 = tpu.vector_load %arg11[%get3A_299, %get3A_300] {strides = array<i32>} : memref<80x128xf32, #tpu.memory_space<vmem>>, vector<1x16xf32>,
        %get3A_302 = vector.shape_cast %get3A_301 : vector<1x16xf32> to vector<16xf32>
        %get3A_303 = arith.index_cast %add3A_275 : i32 to index
        %get3A_304 = arith.constant 0 : index
        %get3A_305 = tpu.vector_load %arg13[%get3A_303, %get3A_304] {strides = array<i32>} : memref<80x128xf32, #tpu.memory_space<vmem>>, vector<1x16xf32>,
        %get3A_306 = vector.shape_cast %get3A_305 : vector<1x16xf32> to vector<16xf32>
        %add3A_307 = arith.addf %get3A_302, %get3A_306 : vector<16xf32>
        %mul3A_308 = arith.mulf %add3A_307, %bitcast_convert_type3A_284 : vector<16xf32>
        %swap3A_309 = arith.index_cast %add3A_275 : i32 to index
        %swap3A_310 = arith.constant 0 : index
        %swap3A_311 = tpu.vector_load %arg17[%swap3A_309, %swap3A_310] {strides = array<i32>} : memref<80x128xf32, #tpu.memory_space<vmem>>, vector<1x16xf32>,
        %swap3A_312 = vector.shape_cast %swap3A_311 : vector<1x16xf32> to vector<16xf32>
        %swap3A_313 = vector.shape_cast %mul3A_308 : vector<16xf32> to vector<1x16xf32>
        tpu.vector_store %arg17[%swap3A_309, %swap3A_310], %swap3A_313 {strides = array<i32>} : memref<80x128xf32, #tpu.memory_space<vmem>>, vector<1x16xf32>,
        %get3A_314 = arith.index_cast %scan3A_269 : i32 to index
        %get3A_315 = arith.constant 16 : index
        %get3A_316 = tpu.vector_load %arg15[%get3A_314, %get3A_315] {strides = array<i32>} : memref<40x128xi32, #tpu.memory_space<vmem>>, vector<1x16xi32>,
        %get3A_317 = vector.shape_cast %get3A_316 : vector<1x16xi32> to vector<16xi32>
        %shift_left3A_318 = arith.constant 16 : i32
        %shift_left3A_319 = vector.broadcast %shift_left3A_318 : i32 to vector<16xi32>
        %shift_left3A_320 = arith.shli %get3A_317, %shift_left3A_319 : vector<16xi32>
        %bitcast_convert_type3A_321 = tpu.bitcast %shift_left3A_320 : vector<16xi32> -> vector<16xf32>
        %and3A_322 = arith.constant -65536 : i32
        %and3A_323 = vector.broadcast %and3A_322 : i32 to vector<16xi32>
        %and3A_324 = arith.andi %get3A_317, %and3A_323 : vector<16xi32>
        %bitcast_convert_type3A_325 = tpu.bitcast %and3A_324 : vector<16xi32> -> vector<16xf32>
        %get3A_326 = arith.index_cast %mul3A_271 : i32 to index
        %get3A_327 = arith.constant 16 : index
        %get3A_328 = tpu.vector_load %arg11[%get3A_326, %get3A_327] {strides = array<i32>} : memref<80x128xf32, #tpu.memory_space<vmem>>, vector<1x16xf32>,
        %get3A_329 = vector.shape_cast %get3A_328 : vector<1x16xf32> to vector<16xf32>
        %get3A_330 = arith.index_cast %mul3A_271 : i32 to index
        %get3A_331 = arith.constant 16 : index
        %get3A_332 = tpu.vector_load %arg13[%get3A_330, %get3A_331] {strides = array<i32>} : memref<80x128xf32, #tpu.memory_space<vmem>>, vector<1x16xf32>,
        %get3A_333 = vector.shape_cast %get3A_332 : vector<1x16xf32> to vector<16xf32>
        %add3A_334 = arith.addf %get3A_329, %get3A_333 : vector<16xf32>
        %mul3A_335 = arith.mulf %add3A_334, %bitcast_convert_type3A_321 : vector<16xf32>
        %swap3A_336 = arith.index_cast %mul3A_271 : i32 to index
        %swap3A_337 = arith.constant 16 : index
        %swap3A_338 = tpu.vector_load %arg17[%swap3A_336, %swap3A_337] {strides = array<i32>} : memref<80x128xf32, #tpu.memory_space<vmem>>, vector<1x16xf32>,
        %swap3A_339 = vector.shape_cast %swap3A_338 : vector<1x16xf32> to vector<16xf32>
        %swap3A_340 = vector.shape_cast %mul3A_335 : vector<16xf32> to vector<1x16xf32>
        tpu.vector_store %arg17[%swap3A_336, %swap3A_337], %swap3A_340 {strides = array<i32>} : memref<80x128xf32, #tpu.memory_space<vmem>>, vector<1x16xf32>,
        %get3A_341 = arith.index_cast %add3A_275 : i32 to index
        %get3A_342 = arith.constant 16 : index
        %get3A_343 = tpu.vector_load %arg11[%get3A_341, %get3A_342] {strides = array<i32>} : memref<80x128xf32, #tpu.memory_space<vmem>>, vector<1x16xf32>,
        %get3A_344 = vector.shape_cast %get3A_343 : vector<1x16xf32> to vector<16xf32>
        %get3A_345 = arith.index_cast %add3A_275 : i32 to index
        %get3A_346 = arith.constant 16 : index
        %get3A_347 = tpu.vector_load %arg13[%get3A_345, %get3A_346] {strides = array<i32>} : memref<80x128xf32, #tpu.memory_space<vmem>>, vector<1x16xf32>,
        %get3A_348 = vector.shape_cast %get3A_347 : vector<1x16xf32> to vector<16xf32>
        %add3A_349 = arith.addf %get3A_344, %get3A_348 : vector<16xf32>
        %mul3A_350 = arith.mulf %add3A_349, %bitcast_convert_type3A_325 : vector<16xf32>
        %swap3A_351 = arith.index_cast %add3A_275 : i32 to index
        %swap3A_352 = arith.constant 16 : index
        %swap3A_353 = tpu.vector_load %arg17[%swap3A_351, %swap3A_352] {strides = array<i32>} : memref<80x128xf32, #tpu.memory_space<vmem>>, vector<1x16xf32>,
        %swap3A_354 = vector.shape_cast %swap3A_353 : vector<1x16xf32> to vector<16xf32>
        %swap3A_355 = vector.shape_cast %mul3A_350 : vector<16xf32> to vector<1x16xf32>
        tpu.vector_store %arg17[%swap3A_351, %swap3A_352], %swap3A_355 {strides = array<i32>} : memref<80x128xf32, #tpu.memory_space<vmem>>, vector<1x16xf32>,
        %get3A_356 = arith.index_cast %scan3A_269 : i32 to index
        %get3A_357 = arith.constant 32 : index
        %get3A_358 = tpu.vector_load %arg15[%get3A_356, %get3A_357] {strides = array<i32>} : memref<40x128xi32, #tpu.memory_space<vmem>>, vector<1x16xi32>,
        %get3A_359 = vector.shape_cast %get3A_358 : vector<1x16xi32> to vector<16xi32>
        %shift_left3A_360 = arith.constant 16 : i32
        %shift_left3A_361 = vector.broadcast %shift_left3A_360 : i32 to vector<16xi32>
        %shift_left3A_362 = arith.shli %get3A_359, %shift_left3A_361 : vector<16xi32>
        %bitcast_convert_type3A_363 = tpu.bitcast %shift_left3A_362 : vector<16xi32> -> vector<16xf32>
        %and3A_364 = arith.constant -65536 : i32
        %and3A_365 = vector.broadcast %and3A_364 : i32 to vector<16xi32>
        %and3A_366 = arith.andi %get3A_359, %and3A_365 : vector<16xi32>
        %bitcast_convert_type3A_367 = tpu.bitcast %and3A_366 : vector<16xi32> -> vector<16xf32>
        %get3A_368 = arith.index_cast %mul3A_271 : i32 to index
        %get3A_369 = arith.constant 32 : index
        %get3A_370 = tpu.vector_load %arg11[%get3A_368, %get3A_369] {strides = array<i32>} : memref<80x128xf32, #tpu.memory_space<vmem>>, vector<1x16xf32>,
        %get3A_371 = vector.shape_cast %get3A_370 : vector<1x16xf32> to vector<16xf32>
        %get3A_372 = arith.index_cast %mul3A_271 : i32 to index
        %get3A_373 = arith.constant 32 : index
        %get3A_374 = tpu.vector_load %arg13[%get3A_372, %get3A_373] {strides = array<i32>} : memref<80x128xf32, #tpu.memory_space<vmem>>, vector<1x16xf32>,
        %get3A_375 = vector.shape_cast %get3A_374 : vector<1x16xf32> to vector<16xf32>
        %add3A_376 = arith.addf %get3A_371, %get3A_375 : vector<16xf32>
        %mul3A_377 = arith.mulf %add3A_376, %bitcast_convert_type3A_363 : vector<16xf32>
        %swap3A_378 = arith.index_cast %mul3A_271 : i32 to index
        %swap3A_379 = arith.constant 32 : index
        %swap3A_380 = tpu.vector_load %arg17[%swap3A_378, %swap3A_379] {strides = array<i32>} : memref<80x128xf32, #tpu.memory_space<vmem>>, vector<1x16xf32>,
        %swap3A_381 = vector.shape_cast %swap3A_380 : vector<1x16xf32> to vector<16xf32>
        %swap3A_382 = vector.shape_cast %mul3A_377 : vector<16xf32> to vector<1x16xf32>
        tpu.vector_store %arg17[%swap3A_378, %swap3A_379], %swap3A_382 {strides = array<i32>} : memref<80x128xf32, #tpu.memory_space<vmem>>, vector<1x16xf32>,
        %get3A_383 = arith.index_cast %add3A_275 : i32 to index
        %get3A_384 = arith.constant 32 : index
        %get3A_385 = tpu.vector_load %arg11[%get3A_383, %get3A_384] {strides = array<i32>} : memref<80x128xf32, #tpu.memory_space<vmem>>, vector<1x16xf32>,
        %get3A_386 = vector.shape_cast %get3A_385 : vector<1x16xf32> to vector<16xf32>
        %get3A_387 = arith.index_cast %add3A_275 : i32 to index
        %get3A_388 = arith.constant 32 : index
        %get3A_389 = tpu.vector_load %arg13[%get3A_387, %get3A_388] {strides = array<i32>} : memref<80x128xf32, #tpu.memory_space<vmem>>, vector<1x16xf32>,
        %get3A_390 = vector.shape_cast %get3A_389 : vector<1x16xf32> to vector<16xf32>
        %add3A_391 = arith.addf %get3A_386, %get3A_390 : vector<16xf32>
        %mul3A_392 = arith.mulf %add3A_391, %bitcast_convert_type3A_367 : vector<16xf32>
        %swap3A_393 = arith.index_cast %add3A_275 : i32 to index
        %swap3A_394 = arith.constant 32 : index
        %swap3A_395 = tpu.vector_load %arg17[%swap3A_393, %swap3A_394] {strides = array<i32>} : memref<80x128xf32, #tpu.memory_space<vmem>>, vector<1x16xf32>,
        %swap3A_396 = vector.shape_cast %swap3A_395 : vector<1x16xf32> to vector<16xf32>
        %swap3A_397 = vector.shape_cast %mul3A_392 : vector<16xf32> to vector<1x16xf32>
        tpu.vector_store %arg17[%swap3A_393, %swap3A_394], %swap3A_397 {strides = array<i32>} : memref<80x128xf32, #tpu.memory_space<vmem>>, vector<1x16xf32>,
        %get3A_398 = arith.index_cast %scan3A_269 : i32 to index
        %get3A_399 = arith.constant 48 : index
        %get3A_400 = tpu.vector_load %arg15[%get3A_398, %get3A_399] {strides = array<i32>} : memref<40x128xi32, #tpu.memory_space<vmem>>, vector<1x16xi32>,
        %get3A_401 = vector.shape_cast %get3A_400 : vector<1x16xi32> to vector<16xi32>
        %shift_left3A_402 = arith.constant 16 : i32
        %shift_left3A_403 = vector.broadcast %shift_left3A_402 : i32 to vector<16xi32>
        %shift_left3A_404 = arith.shli %get3A_401, %shift_left3A_403 : vector<16xi32>
        %bitcast_convert_type3A_405 = tpu.bitcast %shift_left3A_404 : vector<16xi32> -> vector<16xf32>
        %and3A_406 = arith.constant -65536 : i32
        %and3A_407 = vector.broadcast %and3A_406 : i32 to vector<16xi32>
        %and3A_408 = arith.andi %get3A_401, %and3A_407 : vector<16xi32>
        %bitcast_convert_type3A_409 = tpu.bitcast %and3A_408 : vector<16xi32> -> vector<16xf32>
        %get3A_410 = arith.index_cast %mul3A_271 : i32 to index
        %get3A_411 = arith.constant 48 : index
        %get3A_412 = tpu.vector_load %arg11[%get3A_410, %get3A_411] {strides = array<i32>} : memref<80x128xf32, #tpu.memory_space<vmem>>, vector<1x16xf32>,
        %get3A_413 = vector.shape_cast %get3A_412 : vector<1x16xf32> to vector<16xf32>
        %get3A_414 = arith.index_cast %mul3A_271 : i32 to index
        %get3A_415 = arith.constant 48 : index
        %get3A_416 = tpu.vector_load %arg13[%get3A_414, %get3A_415] {strides = array<i32>} : memref<80x128xf32, #tpu.memory_space<vmem>>, vector<1x16xf32>,
        %get3A_417 = vector.shape_cast %get3A_416 : vector<1x16xf32> to vector<16xf32>
        %add3A_418 = arith.addf %get3A_413, %get3A_417 : vector<16xf32>
        %mul3A_419 = arith.mulf %add3A_418, %bitcast_convert_type3A_405 : vector<16xf32>
        %swap3A_420 = arith.index_cast %mul3A_271 : i32 to index
        %swap3A_421 = arith.constant 48 : index
        %swap3A_422 = tpu.vector_load %arg17[%swap3A_420, %swap3A_421] {strides = array<i32>} : memref<80x128xf32, #tpu.memory_space<vmem>>, vector<1x16xf32>,
        %swap3A_423 = vector.shape_cast %swap3A_422 : vector<1x16xf32> to vector<16xf32>
        %swap3A_424 = vector.shape_cast %mul3A_419 : vector<16xf32> to vector<1x16xf32>
        tpu.vector_store %arg17[%swap3A_420, %swap3A_421], %swap3A_424 {strides = array<i32>} : memref<80x128xf32, #tpu.memory_space<vmem>>, vector<1x16xf32>,
        %get3A_425 = arith.index_cast %add3A_275 : i32 to index
        %get3A_426 = arith.constant 48 : index
        %get3A_427 = tpu.vector_load %arg11[%get3A_425, %get3A_426] {strides = array<i32>} : memref<80x128xf32, #tpu.memory_space<vmem>>, vector<1x16xf32>,
        %get3A_428 = vector.shape_cast %get3A_427 : vector<1x16xf32> to vector<16xf32>
        %get3A_429 = arith.index_cast %add3A_275 : i32 to index
        %get3A_430 = arith.constant 48 : index
        %get3A_431 = tpu.vector_load %arg13[%get3A_429, %get3A_430] {strides = array<i32>} : memref<80x128xf32, #tpu.memory_space<vmem>>, vector<1x16xf32>,
        %get3A_432 = vector.shape_cast %get3A_431 : vector<1x16xf32> to vector<16xf32>
        %add3A_433 = arith.addf %get3A_428, %get3A_432 : vector<16xf32>
        %mul3A_434 = arith.mulf %add3A_433, %bitcast_convert_type3A_409 : vector<16xf32>
        %swap3A_435 = arith.index_cast %add3A_275 : i32 to index
        %swap3A_436 = arith.constant 48 : index
        %swap3A_437 = tpu.vector_load %arg17[%swap3A_435, %swap3A_436] {strides = array<i32>} : memref<80x128xf32, #tpu.memory_space<vmem>>, vector<1x16xf32>,
        %swap3A_438 = vector.shape_cast %swap3A_437 : vector<1x16xf32> to vector<16xf32>
        %swap3A_439 = vector.shape_cast %mul3A_434 : vector<16xf32> to vector<1x16xf32>
        tpu.vector_store %arg17[%swap3A_435, %swap3A_436], %swap3A_439 {strides = array<i32>} : memref<80x128xf32, #tpu.memory_space<vmem>>, vector<1x16xf32>,
        %get3A_440 = arith.index_cast %scan3A_269 : i32 to index
        %get3A_441 = arith.constant 64 : index
        %get3A_442 = tpu.vector_load %arg15[%get3A_440, %get3A_441] {strides = array<i32>} : memref<40x128xi32, #tpu.memory_space<vmem>>, vector<1x16xi32>,
        %get3A_443 = vector.shape_cast %get3A_442 : vector<1x16xi32> to vector<16xi32>
        %shift_left3A_444 = arith.constant 16 : i32
        %shift_left3A_445 = vector.broadcast %shift_left3A_444 : i32 to vector<16xi32>
        %shift_left3A_446 = arith.shli %get3A_443, %shift_left3A_445 : vector<16xi32>
        %bitcast_convert_type3A_447 = tpu.bitcast %shift_left3A_446 : vector<16xi32> -> vector<16xf32>
        %and3A_448 = arith.constant -65536 : i32
        %and3A_449 = vector.broadcast %and3A_448 : i32 to vector<16xi32>
        %and3A_450 = arith.andi %get3A_443, %and3A_449 : vector<16xi32>
        %bitcast_convert_type3A_451 = tpu.bitcast %and3A_450 : vector<16xi32> -> vector<16xf32>
        %get3A_452 = arith.index_cast %mul3A_271 : i32 to index
        %get3A_453 = arith.constant 64 : index
        %get3A_454 = tpu.vector_load %arg11[%get3A_452, %get3A_453] {strides = array<i32>} : memref<80x128xf32, #tpu.memory_space<vmem>>, vector<1x16xf32>,
        %get3A_455 = vector.shape_cast %get3A_454 : vector<1x16xf32> to vector<16xf32>
        %get3A_456 = arith.index_cast %mul3A_271 : i32 to index
        %get3A_457 = arith.constant 64 : index
        %get3A_458 = tpu.vector_load %arg13[%get3A_456, %get3A_457] {strides = array<i32>} : memref<80x128xf32, #tpu.memory_space<vmem>>, vector<1x16xf32>,
        %get3A_459 = vector.shape_cast %get3A_458 : vector<1x16xf32> to vector<16xf32>
        %add3A_460 = arith.addf %get3A_455, %get3A_459 : vector<16xf32>
        %mul3A_461 = arith.mulf %add3A_460, %bitcast_convert_type3A_447 : vector<16xf32>
        %swap3A_462 = arith.index_cast %mul3A_271 : i32 to index
        %swap3A_463 = arith.constant 64 : index
        %swap3A_464 = tpu.vector_load %arg17[%swap3A_462, %swap3A_463] {strides = array<i32>} : memref<80x128xf32, #tpu.memory_space<vmem>>, vector<1x16xf32>,
        %swap3A_465 = vector.shape_cast %swap3A_464 : vector<1x16xf32> to vector<16xf32>
        %swap3A_466 = vector.shape_cast %mul3A_461 : vector<16xf32> to vector<1x16xf32>
        tpu.vector_store %arg17[%swap3A_462, %swap3A_463], %swap3A_466 {strides = array<i32>} : memref<80x128xf32, #tpu.memory_space<vmem>>, vector<1x16xf32>,
        %get3A_467 = arith.index_cast %add3A_275 : i32 to index
        %get3A_468 = arith.constant 64 : index
        %get3A_469 = tpu.vector_load %arg11[%get3A_467, %get3A_468] {strides = array<i32>} : memref<80x128xf32, #tpu.memory_space<vmem>>, vector<1x16xf32>,
        %get3A_470 = vector.shape_cast %get3A_469 : vector<1x16xf32> to vector<16xf32>
        %get3A_471 = arith.index_cast %add3A_275 : i32 to index
        %get3A_472 = arith.constant 64 : index
        %get3A_473 = tpu.vector_load %arg13[%get3A_471, %get3A_472] {strides = array<i32>} : memref<80x128xf32, #tpu.memory_space<vmem>>, vector<1x16xf32>,
        %get3A_474 = vector.shape_cast %get3A_473 : vector<1x16xf32> to vector<16xf32>
        %add3A_475 = arith.addf %get3A_470, %get3A_474 : vector<16xf32>
        %mul3A_476 = arith.mulf %add3A_475, %bitcast_convert_type3A_451 : vector<16xf32>
        %swap3A_477 = arith.index_cast %add3A_275 : i32 to index
        %swap3A_478 = arith.constant 64 : index
        %swap3A_479 = tpu.vector_load %arg17[%swap3A_477, %swap3A_478] {strides = array<i32>} : memref<80x128xf32, #tpu.memory_space<vmem>>, vector<1x16xf32>,
        %swap3A_480 = vector.shape_cast %swap3A_479 : vector<1x16xf32> to vector<16xf32>
        %swap3A_481 = vector.shape_cast %mul3A_476 : vector<16xf32> to vector<1x16xf32>
        tpu.vector_store %arg17[%swap3A_477, %swap3A_478], %swap3A_481 {strides = array<i32>} : memref<80x128xf32, #tpu.memory_space<vmem>>, vector<1x16xf32>,
        %get3A_482 = arith.index_cast %scan3A_269 : i32 to index
        %get3A_483 = arith.constant 80 : index
        %get3A_484 = tpu.vector_load %arg15[%get3A_482, %get3A_483] {strides = array<i32>} : memref<40x128xi32, #tpu.memory_space<vmem>>, vector<1x16xi32>,
        %get3A_485 = vector.shape_cast %get3A_484 : vector<1x16xi32> to vector<16xi32>
        %shift_left3A_486 = arith.constant 16 : i32
        %shift_left3A_487 = vector.broadcast %shift_left3A_486 : i32 to vector<16xi32>
        %shift_left3A_488 = arith.shli %get3A_485, %shift_left3A_487 : vector<16xi32>
        %bitcast_convert_type3A_489 = tpu.bitcast %shift_left3A_488 : vector<16xi32> -> vector<16xf32>
        %and3A_490 = arith.constant -65536 : i32
        %and3A_491 = vector.broadcast %and3A_490 : i32 to vector<16xi32>
        %and3A_492 = arith.andi %get3A_485, %and3A_491 : vector<16xi32>
        %bitcast_convert_type3A_493 = tpu.bitcast %and3A_492 : vector<16xi32> -> vector<16xf32>
        %get3A_494 = arith.index_cast %mul3A_271 : i32 to index
        %get3A_495 = arith.constant 80 : index
        %get3A_496 = tpu.vector_load %arg11[%get3A_494, %get3A_495] {strides = array<i32>} : memref<80x128xf32, #tpu.memory_space<vmem>>, vector<1x16xf32>,
        %get3A_497 = vector.shape_cast %get3A_496 : vector<1x16xf32> to vector<16xf32>
        %get3A_498 = arith.index_cast %mul3A_271 : i32 to index
        %get3A_499 = arith.constant 80 : index
        %get3A_500 = tpu.vector_load %arg13[%get3A_498, %get3A_499] {strides = array<i32>} : memref<80x128xf32, #tpu.memory_space<vmem>>, vector<1x16xf32>,
        %get3A_501 = vector.shape_cast %get3A_500 : vector<1x16xf32> to vector<16xf32>
        %add3A_502 = arith.addf %get3A_497, %get3A_501 : vector<16xf32>
        %mul3A_503 = arith.mulf %add3A_502, %bitcast_convert_type3A_489 : vector<16xf32>
        %swap3A_504 = arith.index_cast %mul3A_271 : i32 to index
        %swap3A_505 = arith.constant 80 : index
        %swap3A_506 = tpu.vector_load %arg17[%swap3A_504, %swap3A_505] {strides = array<i32>} : memref<80x128xf32, #tpu.memory_space<vmem>>, vector<1x16xf32>,
        %swap3A_507 = vector.shape_cast %swap3A_506 : vector<1x16xf32> to vector<16xf32>
        %swap3A_508 = vector.shape_cast %mul3A_503 : vector<16xf32> to vector<1x16xf32>
        tpu.vector_store %arg17[%swap3A_504, %swap3A_505], %swap3A_508 {strides = array<i32>} : memref<80x128xf32, #tpu.memory_space<vmem>>, vector<1x16xf32>,
        %get3A_509 = arith.index_cast %add3A_275 : i32 to index
        %get3A_510 = arith.constant 80 : index
        %get3A_511 = tpu.vector_load %arg11[%get3A_509, %get3A_510] {strides = array<i32>} : memref<80x128xf32, #tpu.memory_space<vmem>>, vector<1x16xf32>,
        %get3A_512 = vector.shape_cast %get3A_511 : vector<1x16xf32> to vector<16xf32>
        %get3A_513 = arith.index_cast %add3A_275 : i32 to index
        %get3A_514 = arith.constant 80 : index
        %get3A_515 = tpu.vector_load %arg13[%get3A_513, %get3A_514] {strides = array<i32>} : memref<80x128xf32, #tpu.memory_space<vmem>>, vector<1x16xf32>,
        %get3A_516 = vector.shape_cast %get3A_515 : vector<1x16xf32> to vector<16xf32>
        %add3A_517 = arith.addf %get3A_512, %get3A_516 : vector<16xf32>
        %mul3A_518 = arith.mulf %add3A_517, %bitcast_convert_type3A_493 : vector<16xf32>
        %swap3A_519 = arith.index_cast %add3A_275 : i32 to index
        %swap3A_520 = arith.constant 80 : index
        %swap3A_521 = tpu.vector_load %arg17[%swap3A_519, %swap3A_520] {strides = array<i32>} : memref<80x128xf32, #tpu.memory_space<vmem>>, vector<1x16xf32>,
        %swap3A_522 = vector.shape_cast %swap3A_521 : vector<1x16xf32> to vector<16xf32>
        %swap3A_523 = vector.shape_cast %mul3A_518 : vector<16xf32> to vector<1x16xf32>
        tpu.vector_store %arg17[%swap3A_519, %swap3A_520], %swap3A_523 {strides = array<i32>} : memref<80x128xf32, #tpu.memory_space<vmem>>, vector<1x16xf32>,
        %get3A_524 = arith.index_cast %scan3A_269 : i32 to index
        %get3A_525 = arith.constant 96 : index
        %get3A_526 = tpu.vector_load %arg15[%get3A_524, %get3A_525] {strides = array<i32>} : memref<40x128xi32, #tpu.memory_space<vmem>>, vector<1x16xi32>,
        %get3A_527 = vector.shape_cast %get3A_526 : vector<1x16xi32> to vector<16xi32>
        %shift_left3A_528 = arith.constant 16 : i32
        %shift_left3A_529 = vector.broadcast %shift_left3A_528 : i32 to vector<16xi32>
        %shift_left3A_530 = arith.shli %get3A_527, %shift_left3A_529 : vector<16xi32>
        %bitcast_convert_type3A_531 = tpu.bitcast %shift_left3A_530 : vector<16xi32> -> vector<16xf32>
        %and3A_532 = arith.constant -65536 : i32
        %and3A_533 = vector.broadcast %and3A_532 : i32 to vector<16xi32>
        %and3A_534 = arith.andi %get3A_527, %and3A_533 : vector<16xi32>
        %bitcast_convert_type3A_535 = tpu.bitcast %and3A_534 : vector<16xi32> -> vector<16xf32>
        %get3A_536 = arith.index_cast %mul3A_271 : i32 to index
        %get3A_537 = arith.constant 96 : index
        %get3A_538 = tpu.vector_load %arg11[%get3A_536, %get3A_537] {strides = array<i32>} : memref<80x128xf32, #tpu.memory_space<vmem>>, vector<1x16xf32>,
        %get3A_539 = vector.shape_cast %get3A_538 : vector<1x16xf32> to vector<16xf32>
        %get3A_540 = arith.index_cast %mul3A_271 : i32 to index
        %get3A_541 = arith.constant 96 : index
        %get3A_542 = tpu.vector_load %arg13[%get3A_540, %get3A_541] {strides = array<i32>} : memref<80x128xf32, #tpu.memory_space<vmem>>, vector<1x16xf32>,
        %get3A_543 = vector.shape_cast %get3A_542 : vector<1x16xf32> to vector<16xf32>
        %add3A_544 = arith.addf %get3A_539, %get3A_543 : vector<16xf32>
        %mul3A_545 = arith.mulf %add3A_544, %bitcast_convert_type3A_531 : vector<16xf32>
        %swap3A_546 = arith.index_cast %mul3A_271 : i32 to index
        %swap3A_547 = arith.constant 96 : index
        %swap3A_548 = tpu.vector_load %arg17[%swap3A_546, %swap3A_547] {strides = array<i32>} : memref<80x128xf32, #tpu.memory_space<vmem>>, vector<1x16xf32>,
        %swap3A_549 = vector.shape_cast %swap3A_548 : vector<1x16xf32> to vector<16xf32>
        %swap3A_550 = vector.shape_cast %mul3A_545 : vector<16xf32> to vector<1x16xf32>
        tpu.vector_store %arg17[%swap3A_546, %swap3A_547], %swap3A_550 {strides = array<i32>} : memref<80x128xf32, #tpu.memory_space<vmem>>, vector<1x16xf32>,
        %get3A_551 = arith.index_cast %add3A_275 : i32 to index
        %get3A_552 = arith.constant 96 : index
        %get3A_553 = tpu.vector_load %arg11[%get3A_551, %get3A_552] {strides = array<i32>} : memref<80x128xf32, #tpu.memory_space<vmem>>, vector<1x16xf32>,
        %get3A_554 = vector.shape_cast %get3A_553 : vector<1x16xf32> to vector<16xf32>
        %get3A_555 = arith.index_cast %add3A_275 : i32 to index
        %get3A_556 = arith.constant 96 : index
        %get3A_557 = tpu.vector_load %arg13[%get3A_555, %get3A_556] {strides = array<i32>} : memref<80x128xf32, #tpu.memory_space<vmem>>, vector<1x16xf32>,
        %get3A_558 = vector.shape_cast %get3A_557 : vector<1x16xf32> to vector<16xf32>
        %add3A_559 = arith.addf %get3A_554, %get3A_558 : vector<16xf32>
        %mul3A_560 = arith.mulf %add3A_559, %bitcast_convert_type3A_535 : vector<16xf32>
        %swap3A_561 = arith.index_cast %add3A_275 : i32 to index
        %swap3A_562 = arith.constant 96 : index
        %swap3A_563 = tpu.vector_load %arg17[%swap3A_561, %swap3A_562] {strides = array<i32>} : memref<80x128xf32, #tpu.memory_space<vmem>>, vector<1x16xf32>,
        %swap3A_564 = vector.shape_cast %swap3A_563 : vector<1x16xf32> to vector<16xf32>
        %swap3A_565 = vector.shape_cast %mul3A_560 : vector<16xf32> to vector<1x16xf32>
        tpu.vector_store %arg17[%swap3A_561, %swap3A_562], %swap3A_565 {strides = array<i32>} : memref<80x128xf32, #tpu.memory_space<vmem>>, vector<1x16xf32>,
        %get3A_566 = arith.index_cast %scan3A_269 : i32 to index
        %get3A_567 = arith.constant 112 : index
        %get3A_568 = tpu.vector_load %arg15[%get3A_566, %get3A_567] {strides = array<i32>} : memref<40x128xi32, #tpu.memory_space<vmem>>, vector<1x16xi32>,
        %get3A_569 = vector.shape_cast %get3A_568 : vector<1x16xi32> to vector<16xi32>
        %shift_left3A_570 = arith.constant 16 : i32
        %shift_left3A_571 = vector.broadcast %shift_left3A_570 : i32 to vector<16xi32>
        %shift_left3A_572 = arith.shli %get3A_569, %shift_left3A_571 : vector<16xi32>
        %bitcast_convert_type3A_573 = tpu.bitcast %shift_left3A_572 : vector<16xi32> -> vector<16xf32>
        %and3A_574 = arith.constant -65536 : i32
        %and3A_575 = vector.broadcast %and3A_574 : i32 to vector<16xi32>
        %and3A_576 = arith.andi %get3A_569, %and3A_575 : vector<16xi32>
        %bitcast_convert_type3A_577 = tpu.bitcast %and3A_576 : vector<16xi32> -> vector<16xf32>
        %get3A_578 = arith.index_cast %mul3A_271 : i32 to index
        %get3A_579 = arith.constant 112 : index
        %get3A_580 = tpu.vector_load %arg11[%get3A_578, %get3A_579] {strides = array<i32>} : memref<80x128xf32, #tpu.memory_space<vmem>>, vector<1x16xf32>,
        %get3A_581 = vector.shape_cast %get3A_580 : vector<1x16xf32> to vector<16xf32>
        %get3A_582 = arith.index_cast %mul3A_271 : i32 to index
        %get3A_583 = arith.constant 112 : index
        %get3A_584 = tpu.vector_load %arg13[%get3A_582, %get3A_583] {strides = array<i32>} : memref<80x128xf32, #tpu.memory_space<vmem>>, vector<1x16xf32>,
        %get3A_585 = vector.shape_cast %get3A_584 : vector<1x16xf32> to vector<16xf32>
        %add3A_586 = arith.addf %get3A_581, %get3A_585 : vector<16xf32>
        %mul3A_587 = arith.mulf %add3A_586, %bitcast_convert_type3A_573 : vector<16xf32>
        %swap3A_588 = arith.index_cast %mul3A_271 : i32 to index
        %swap3A_589 = arith.constant 112 : index
        %swap3A_590 = tpu.vector_load %arg17[%swap3A_588, %swap3A_589] {strides = array<i32>} : memref<80x128xf32, #tpu.memory_space<vmem>>, vector<1x16xf32>,
        %swap3A_591 = vector.shape_cast %swap3A_590 : vector<1x16xf32> to vector<16xf32>
        %swap3A_592 = vector.shape_cast %mul3A_587 : vector<16xf32> to vector<1x16xf32>
        tpu.vector_store %arg17[%swap3A_588, %swap3A_589], %swap3A_592 {strides = array<i32>} : memref<80x128xf32, #tpu.memory_space<vmem>>, vector<1x16xf32>,
        %get3A_593 = arith.index_cast %add3A_275 : i32 to index
        %get3A_594 = arith.constant 112 : index
        %get3A_595 = tpu.vector_load %arg11[%get3A_593, %get3A_594] {strides = array<i32>} : memref<80x128xf32, #tpu.memory_space<vmem>>, vector<1x16xf32>,
        %get3A_596 = vector.shape_cast %get3A_595 : vector<1x16xf32> to vector<16xf32>
        %get3A_597 = arith.index_cast %add3A_275 : i32 to index
        %get3A_598 = arith.constant 112 : index
        %get3A_599 = tpu.vector_load %arg13[%get3A_597, %get3A_598] {strides = array<i32>} : memref<80x128xf32, #tpu.memory_space<vmem>>, vector<1x16xf32>,
        %get3A_600 = vector.shape_cast %get3A_599 : vector<1x16xf32> to vector<16xf32>
        %add3A_601 = arith.addf %get3A_596, %get3A_600 : vector<16xf32>
        %mul3A_602 = arith.mulf %add3A_601, %bitcast_convert_type3A_577 : vector<16xf32>
        %swap3A_603 = arith.index_cast %add3A_275 : i32 to index
        %swap3A_604 = arith.constant 112 : index
        %swap3A_605 = tpu.vector_load %arg17[%swap3A_603, %swap3A_604] {strides = array<i32>} : memref<80x128xf32, #tpu.memory_space<vmem>>, vector<1x16xf32>,
        %swap3A_606 = vector.shape_cast %swap3A_605 : vector<1x16xf32> to vector<16xf32>
        %swap3A_607 = vector.shape_cast %mul3A_602 : vector<16xf32> to vector<1x16xf32>
        tpu.vector_store %arg17[%swap3A_603, %swap3A_604], %swap3A_607 {strides = array<i32>} : memref<80x128xf32, #tpu.memory_space<vmem>>, vector<1x16xf32>,
      }
      %scan3A_172 = arith.constant 40 : i32
      %mul3A_173 = arith.constant 80 : i32
      %mul3A_174 = arith.muli %mul3A_98, %mul3A_173 : i32
      %add3A_175 = arith.addi %mul3A_2, %mul3A_174 : i32
      %dma_start3A_176 = arith.constant 0 : i32
      %dma_start3A_177 = tpu.memref_slice %arg6[%add3A_175, %dma_start3A_176] : memref<320000x128xf32, #tpu.memory_space<hbm>> -> memref<80x128xf32, #tpu.memory_space<hbm>>
      %dma_start3A_178 = arith.constant 0 : i32
      %dma_start3A_179 = tpu.memref_slice %arg6[%add3A_175, %dma_start3A_178] : memref<320000x128xf32, #tpu.memory_space<hbm>> -> memref<80x128xf32, #tpu.memory_space<hbm>>
      tpu.enqueue_dma source(%arg17 : memref<80x128xf32, #tpu.memory_space<vmem>>) target(%dma_start3A_179 : memref<80x128xf32, #tpu.memory_space<hbm>>) target_semaphore(%arg29 : memref<!tpu.dma_semaphore, #tpu.memory_space<semaphore_mem>>)
      %mul3A_180 = arith.constant 2 : i32
      %mul3A_181 = arith.muli %mul3A_180, %scan3A_96 : i32
      %add3A_182 = arith.constant 1 : i32
      %add3A_183 = arith.addi %mul3A_181, %add3A_182 : i32
      %dma_wait3A_184 = arith.constant 0 : i32
      %dma_wait3A_185 = arith.constant 0 : i32
      %dma_wait3A_186 = tpu.memref_slice %arg5[%dma_wait3A_184, %dma_wait3A_185] : memref<10000x128xf32, #tpu.memory_space<hbm>> -> memref<10000x128xf32, #tpu.memory_space<hbm>>
      tpu.wait_indirect_dma semaphore(%arg24 : memref<!tpu.dma_semaphore, #tpu.memory_space<semaphore_mem>>) src(%dma_wait3A_186 : memref<10000x128xf32, #tpu.memory_space<hbm>>) dst(%arg12 : memref<80x128xf32, #tpu.memory_space<vmem>>)
      %dma_wait3A_187 = arith.constant 0 : i32
      %dma_wait3A_188 = arith.constant 0 : i32
      %dma_wait3A_189 = tpu.memref_slice %arg5[%dma_wait3A_187, %dma_wait3A_188] : memref<10000x128xf32, #tpu.memory_space<hbm>> -> memref<10000x128xf32, #tpu.memory_space<hbm>>
      tpu.wait_indirect_dma semaphore(%arg26 : memref<!tpu.dma_semaphore, #tpu.memory_space<semaphore_mem>>) src(%dma_wait3A_189 : memref<10000x128xf32, #tpu.memory_space<hbm>>) dst(%arg14 : memref<80x128xf32, #tpu.memory_space<vmem>>)
      %dma_wait3A_190 = arith.constant 0 : i32
      %dma_wait3A_191 = arith.constant 0 : i32
      %dma_wait3A_192 = tpu.memref_slice %arg4[%dma_wait3A_190, %dma_wait3A_191] : memref<160000x128xi32, #tpu.memory_space<hbm>> -> memref<40x128xi32, #tpu.memory_space<hbm>>
      %dma_wait3A_193 = arith.constant 0 : i32
      %dma_wait3A_194 = arith.constant 0 : i32
      %dma_wait3A_195 = tpu.memref_slice %arg4[%dma_wait3A_193, %dma_wait3A_194] : memref<160000x128xi32, #tpu.memory_space<hbm>> -> memref<40x128xi32, #tpu.memory_space<hbm>>
      tpu.wait_dma2 semaphore(%arg28 : memref<!tpu.dma_semaphore, #tpu.memory_space<semaphore_mem>>) src(%dma_wait3A_195 : memref<40x128xi32, #tpu.memory_space<hbm>>) dst(%arg16 : memref<40x128xi32, #tpu.memory_space<vmem>>)
      %dma_wait3A_196 = arith.constant 0 : i32
      %dma_wait3A_197 = tpu.memref_slice %arg2[%dma_wait3A_196] : memref<320000xi32, #tpu.memory_space<hbm>> -> memref<80xi32, #tpu.memory_space<hbm>>
      %dma_wait3A_198 = arith.constant 0 : i32
      %dma_wait3A_199 = tpu.memref_slice %arg2[%dma_wait3A_198] : memref<320000xi32, #tpu.memory_space<hbm>> -> memref<80xi32, #tpu.memory_space<hbm>>
      tpu.wait_dma2 semaphore(%arg19 : memref<!tpu.dma_semaphore, #tpu.memory_space<semaphore_mem>>) src(%dma_wait3A_199 : memref<80xi32, #tpu.memory_space<hbm>>) dst(%arg7 : memref<80xi32, #tpu.memory_space<vmem>>)
      %dma_wait3A_200 = arith.constant 0 : i32
      %dma_wait3A_201 = tpu.memref_slice %arg3[%dma_wait3A_200] : memref<320000xi32, #tpu.memory_space<hbm>> -> memref<80xi32, #tpu.memory_space<hbm>>
      %dma_wait3A_202 = arith.constant 0 : i32
      %dma_wait3A_203 = tpu.memref_slice %arg3[%dma_wait3A_202] : memref<320000xi32, #tpu.memory_space<hbm>> -> memref<80xi32, #tpu.memory_space<hbm>>
      tpu.wait_dma2 semaphore(%arg21 : memref<!tpu.dma_semaphore, #tpu.memory_space<semaphore_mem>>) src(%dma_wait3A_203 : memref<80xi32, #tpu.memory_space<hbm>>) dst(%arg9 : memref<80xi32, #tpu.memory_space<vmem>>)
      %add3A_204 = arith.constant 1 : i32
      %add3A_205 = arith.addi %add3A_183, %add3A_204 : i32
      %mul3A_206 = arith.constant 80 : i32
      %mul3A_207 = arith.muli %add3A_205, %mul3A_206 : i32
      %add3A_208 = arith.addi %mul3A_2, %mul3A_207 : i32
      %dma_start3A_209 = arith.constant 0 : i32
      %dma_start3A_210 = arith.constant 0 : i32
      %dma_start3A_211 = tpu.memref_slice %arg5[%dma_start3A_209, %dma_start3A_210] : memref<10000x128xf32, #tpu.memory_space<hbm>> -> memref<10000x128xf32, #tpu.memory_space<hbm>>
      tpu.enqueue_indirect_dma source(%dma_start3A_211 : memref<10000x128xf32, #tpu.memory_space<hbm>>) target(%arg11 : memref<80x128xf32, #tpu.memory_space<vmem>>) offsets(%arg7 : memref<80xi32, #tpu.memory_space<vmem>>) semaphore(%arg23 : memref<!tpu.dma_semaphore, #tpu.memory_space<semaphore_mem>>)
      %dma_start3A_212 = arith.constant 0 : i32
      %dma_start3A_213 = arith.constant 0 : i32
      %dma_start3A_214 = tpu.memref_slice %arg5[%dma_start3A_212, %dma_start3A_213] : memref<10000x128xf32, #tpu.memory_space<hbm>> -> memref<10000x128xf32, #tpu.memory_space<hbm>>
      tpu.enqueue_indirect_dma source(%dma_start3A_214 : memref<10000x128xf32, #tpu.memory_space<hbm>>) target(%arg13 : memref<80x128xf32, #tpu.memory_space<vmem>>) offsets(%arg9 : memref<80xi32, #tpu.memory_space<vmem>>) semaphore(%arg25 : memref<!tpu.dma_semaphore, #tpu.memory_space<semaphore_mem>>)
      %jit3A_215 = arith.constant 2 : i32
      %div3A_216 = arith.divsi %add3A_208, %jit3A_215 : i32
      %sign3A_217 = arith.constant 0 : i32
      %sign3A_218 = arith.cmpi sgt, %add3A_208, %sign3A_217 : i32
      %sign3A_219 = arith.extui %sign3A_218 : i1 to i32
      %sign3A_220 = arith.constant 0 : i32
      %sign3A_221 = arith.cmpi slt, %add3A_208, %sign3A_220 : i32
      %sign3A_222 = arith.extui %sign3A_221 : i1 to i32
      %sign3A_223 = arith.subi %sign3A_219, %sign3A_222 : i32
      %sign3A_224 = arith.constant 0 : i32
      %sign3A_225 = arith.cmpi sgt, %jit3A_215, %sign3A_224 : i32
      %sign3A_226 = arith.extui %sign3A_225 : i1 to i32
      %sign3A_227 = arith.constant 0 : i32
      %sign3A_228 = arith.cmpi slt, %jit3A_215, %sign3A_227 : i32
      %sign3A_229 = arith.extui %sign3A_228 : i1 to i32
      %sign3A_230 = arith.subi %sign3A_226, %sign3A_229 : i32
      %ne3A_231 = arith.cmpi ne, %sign3A_223, %sign3A_230 : i32
      %rem3A_232 = arith.remsi %add3A_208, %jit3A_215 : i32
      %ne3A_233 = arith.constant 0 : i32
      %ne3A_234 = arith.cmpi ne, %rem3A_232, %ne3A_233 : i32
      %and3A_235 = arith.andi %ne3A_231, %ne3A_234 : i1
      %sub3A_236 = arith.constant 1 : i32
      %sub3A_237 = arith.subi %div3A_216, %sub3A_236 : i32
      %select_n3A_238 = arith.select %and3A_235, %sub3A_237, %div3A_216 : i32
      %multiple_of3A_239 = tpu.assume_multiple %select_n3A_238, 8 : i32
      %dma_start3A_240 = arith.constant 0 : i32
      %dma_start3A_241 = tpu.memref_slice %arg4[%multiple_of3A_239, %dma_start3A_240] : memref<160000x128xi32, #tpu.memory_space<hbm>> -> memref<40x128xi32, #tpu.memory_space<hbm>>
      %dma_start3A_242 = arith.constant 0 : i32
      %dma_start3A_243 = tpu.memref_slice %arg4[%multiple_of3A_239, %dma_start3A_242] : memref<160000x128xi32, #tpu.memory_space<hbm>> -> memref<40x128xi32, #tpu.memory_space<hbm>>
      tpu.enqueue_dma source(%dma_start3A_243 : memref<40x128xi32, #tpu.memory_space<hbm>>) target(%arg15 : memref<40x128xi32, #tpu.memory_space<vmem>>) target_semaphore(%arg27 : memref<!tpu.dma_semaphore, #tpu.memory_space<semaphore_mem>>)
      %add3A_244 = arith.constant 2 : i32
      %add3A_245 = arith.addi %add3A_183, %add3A_244 : i32
      %le3A_246 = arith.constant 124 : i32
      %le3A_247 = arith.cmpi sle, %add3A_245, %le3A_246 : i32
      %convert_element_type3A_248 = arith.extui %le3A_247 : i1 to i32
      %cond3A_249 = arith.constant 0 : i32
      %cond3A_250 = arith.cmpi ne, %convert_element_type3A_248, %cond3A_249 : i32
      scf.if %cond3A_250 {
        %add3A_269 = arith.constant 2 : i32
        %add3A_270 = arith.addi %add3A_183, %add3A_269 : i32
        %mul3A_271 = arith.constant 80 : i32
        %mul3A_272 = arith.muli %add3A_270, %mul3A_271 : i32
        %add3A_273 = arith.addi %mul3A_2, %mul3A_272 : i32
        %dma_start3A_274 = tpu.memref_slice %arg2[%add3A_273] : memref<320000xi32, #tpu.memory_space<hbm>> -> memref<80xi32, #tpu.memory_space<hbm>>
        %dma_start3A_275 = tpu.memref_slice %arg2[%add3A_273] : memref<320000xi32, #tpu.memory_space<hbm>> -> memref<80xi32, #tpu.memory_space<hbm>>
        tpu.enqueue_dma source(%dma_start3A_275 : memref<80xi32, #tpu.memory_space<hbm>>) target(%arg8 : memref<80xi32, #tpu.memory_space<vmem>>) target_semaphore(%arg20 : memref<!tpu.dma_semaphore, #tpu.memory_space<semaphore_mem>>)
        %dma_start3A_276 = tpu.memref_slice %arg3[%add3A_273] : memref<320000xi32, #tpu.memory_space<hbm>> -> memref<80xi32, #tpu.memory_space<hbm>>
        %dma_start3A_277 = tpu.memref_slice %arg3[%add3A_273] : memref<320000xi32, #tpu.memory_space<hbm>> -> memref<80xi32, #tpu.memory_space<hbm>>
        tpu.enqueue_dma source(%dma_start3A_277 : memref<80xi32, #tpu.memory_space<hbm>>) target(%arg10 : memref<80xi32, #tpu.memory_space<vmem>>) target_semaphore(%arg22 : memref<!tpu.dma_semaphore, #tpu.memory_space<semaphore_mem>>)
      } else {
      }
      %ge3A_251 = arith.constant 2 : i32
      %ge3A_252 = arith.cmpi sge, %add3A_183, %ge3A_251 : i32
      %convert_element_type3A_253 = arith.extui %ge3A_252 : i1 to i32
      %cond3A_254 = arith.constant 0 : i32
      %cond3A_255 = arith.cmpi ne, %convert_element_type3A_253, %cond3A_254 : i32
      scf.if %cond3A_255 {
        %dma_wait3A_269 = arith.constant 0 : i32
        %dma_wait3A_270 = arith.constant 0 : i32
        %dma_wait3A_271 = tpu.memref_slice %arg6[%dma_wait3A_269, %dma_wait3A_270] : memref<320000x128xf32, #tpu.memory_space<hbm>> -> memref<80x128xf32, #tpu.memory_space<hbm>>
        %dma_wait3A_272 = arith.constant 0 : i32
        %dma_wait3A_273 = arith.constant 0 : i32
        %dma_wait3A_274 = tpu.memref_slice %arg6[%dma_wait3A_272, %dma_wait3A_273] : memref<320000x128xf32, #tpu.memory_space<hbm>> -> memref<80x128xf32, #tpu.memory_space<hbm>>
        tpu.wait_dma2 semaphore(%arg30 : memref<!tpu.dma_semaphore, #tpu.memory_space<semaphore_mem>>) src(%arg18 : memref<80x128xf32, #tpu.memory_space<vmem>>) dst(%dma_wait3A_274 : memref<80x128xf32, #tpu.memory_space<hbm>>)
      } else {
      }
      %scan3A_256 = arith.constant 0 : i32
      %scan3A_257 = arith.constant 0 : i32
      %scan3A_258 = arith.constant 40 : i32
      %scan3A_259 = arith.addi %scan3A_257, %scan3A_258 : i32
      %scan3A_260 = arith.constant 1 : i32
      scf.for %scan3A_269 = %scan3A_257 to %scan3A_259 step %scan3A_260  : i32 {
        %mul3A_270 = arith.constant 2 : i32
        %mul3A_271 = arith.muli %scan3A_269, %mul3A_270 : i32
        %mul3A_272 = arith.constant 2 : i32
        %mul3A_273 = arith.muli %scan3A_269, %mul3A_272 : i32
        %add3A_274 = arith.constant 1 : i32
        %add3A_275 = arith.addi %mul3A_273, %add3A_274 : i32
        %get3A = arith.index_cast %scan3A_269 : i32 to index
        %get3A_276 = arith.constant 0 : index
        %get3A_277 = tpu.vector_load %arg16[%get3A, %get3A_276] {strides = array<i32>} : memref<40x128xi32, #tpu.memory_space<vmem>>, vector<1x16xi32>,
        %get3A_278 = vector.shape_cast %get3A_277 : vector<1x16xi32> to vector<16xi32>
        %shift_left3A = arith.constant 16 : i32
        %shift_left3A_279 = vector.broadcast %shift_left3A : i32 to vector<16xi32>
        %shift_left3A_280 = arith.shli %get3A_278, %shift_left3A_279 : vector<16xi32>
        %bitcast_convert_type3A = tpu.bitcast %shift_left3A_280 : vector<16xi32> -> vector<16xf32>
        %and3A_281 = arith.constant -65536 : i32
        %and3A_282 = vector.broadcast %and3A_281 : i32 to vector<16xi32>
        %and3A_283 = arith.andi %get3A_278, %and3A_282 : vector<16xi32>
        %bitcast_convert_type3A_284 = tpu.bitcast %and3A_283 : vector<16xi32> -> vector<16xf32>
        %get3A_285 = arith.index_cast %mul3A_271 : i32 to index
        %get3A_286 = arith.constant 0 : index
        %get3A_287 = tpu.vector_load %arg12[%get3A_285, %get3A_286] {strides = array<i32>} : memref<80x128xf32, #tpu.memory_space<vmem>>, vector<1x16xf32>,
        %get3A_288 = vector.shape_cast %get3A_287 : vector<1x16xf32> to vector<16xf32>
        %get3A_289 = arith.index_cast %mul3A_271 : i32 to index
        %get3A_290 = arith.constant 0 : index
        %get3A_291 = tpu.vector_load %arg14[%get3A_289, %get3A_290] {strides = array<i32>} : memref<80x128xf32, #tpu.memory_space<vmem>>, vector<1x16xf32>,
        %get3A_292 = vector.shape_cast %get3A_291 : vector<1x16xf32> to vector<16xf32>
        %add3A_293 = arith.addf %get3A_288, %get3A_292 : vector<16xf32>
        %mul3A_294 = arith.mulf %add3A_293, %bitcast_convert_type3A : vector<16xf32>
        %swap3A = arith.index_cast %mul3A_271 : i32 to index
        %swap3A_295 = arith.constant 0 : index
        %swap3A_296 = tpu.vector_load %arg18[%swap3A, %swap3A_295] {strides = array<i32>} : memref<80x128xf32, #tpu.memory_space<vmem>>, vector<1x16xf32>,
        %swap3A_297 = vector.shape_cast %swap3A_296 : vector<1x16xf32> to vector<16xf32>
        %swap3A_298 = vector.shape_cast %mul3A_294 : vector<16xf32> to vector<1x16xf32>
        tpu.vector_store %arg18[%swap3A, %swap3A_295], %swap3A_298 {strides = array<i32>} : memref<80x128xf32, #tpu.memory_space<vmem>>, vector<1x16xf32>,
        %get3A_299 = arith.index_cast %add3A_275 : i32 to index
        %get3A_300 = arith.constant 0 : index
        %get3A_301 = tpu.vector_load %arg12[%get3A_299, %get3A_300] {strides = array<i32>} : memref<80x128xf32, #tpu.memory_space<vmem>>, vector<1x16xf32>,
        %get3A_302 = vector.shape_cast %get3A_301 : vector<1x16xf32> to vector<16xf32>
        %get3A_303 = arith.index_cast %add3A_275 : i32 to index
        %get3A_304 = arith.constant 0 : index
        %get3A_305 = tpu.vector_load %arg14[%get3A_303, %get3A_304] {strides = array<i32>} : memref<80x128xf32, #tpu.memory_space<vmem>>, vector<1x16xf32>,
        %get3A_306 = vector.shape_cast %get3A_305 : vector<1x16xf32> to vector<16xf32>
        %add3A_307 = arith.addf %get3A_302, %get3A_306 : vector<16xf32>
        %mul3A_308 = arith.mulf %add3A_307, %bitcast_convert_type3A_284 : vector<16xf32>
        %swap3A_309 = arith.index_cast %add3A_275 : i32 to index
        %swap3A_310 = arith.constant 0 : index
        %swap3A_311 = tpu.vector_load %arg18[%swap3A_309, %swap3A_310] {strides = array<i32>} : memref<80x128xf32, #tpu.memory_space<vmem>>, vector<1x16xf32>,
        %swap3A_312 = vector.shape_cast %swap3A_311 : vector<1x16xf32> to vector<16xf32>
        %swap3A_313 = vector.shape_cast %mul3A_308 : vector<16xf32> to vector<1x16xf32>
        tpu.vector_store %arg18[%swap3A_309, %swap3A_310], %swap3A_313 {strides = array<i32>} : memref<80x128xf32, #tpu.memory_space<vmem>>, vector<1x16xf32>,
        %get3A_314 = arith.index_cast %scan3A_269 : i32 to index
        %get3A_315 = arith.constant 16 : index
        %get3A_316 = tpu.vector_load %arg16[%get3A_314, %get3A_315] {strides = array<i32>} : memref<40x128xi32, #tpu.memory_space<vmem>>, vector<1x16xi32>,
        %get3A_317 = vector.shape_cast %get3A_316 : vector<1x16xi32> to vector<16xi32>
        %shift_left3A_318 = arith.constant 16 : i32
        %shift_left3A_319 = vector.broadcast %shift_left3A_318 : i32 to vector<16xi32>
        %shift_left3A_320 = arith.shli %get3A_317, %shift_left3A_319 : vector<16xi32>
        %bitcast_convert_type3A_321 = tpu.bitcast %shift_left3A_320 : vector<16xi32> -> vector<16xf32>
        %and3A_322 = arith.constant -65536 : i32
        %and3A_323 = vector.broadcast %and3A_322 : i32 to vector<16xi32>
        %and3A_324 = arith.andi %get3A_317, %and3A_323 : vector<16xi32>
        %bitcast_convert_type3A_325 = tpu.bitcast %and3A_324 : vector<16xi32> -> vector<16xf32>
        %get3A_326 = arith.index_cast %mul3A_271 : i32 to index
        %get3A_327 = arith.constant 16 : index
        %get3A_328 = tpu.vector_load %arg12[%get3A_326, %get3A_327] {strides = array<i32>} : memref<80x128xf32, #tpu.memory_space<vmem>>, vector<1x16xf32>,
        %get3A_329 = vector.shape_cast %get3A_328 : vector<1x16xf32> to vector<16xf32>
        %get3A_330 = arith.index_cast %mul3A_271 : i32 to index
        %get3A_331 = arith.constant 16 : index
        %get3A_332 = tpu.vector_load %arg14[%get3A_330, %get3A_331] {strides = array<i32>} : memref<80x128xf32, #tpu.memory_space<vmem>>, vector<1x16xf32>,
        %get3A_333 = vector.shape_cast %get3A_332 : vector<1x16xf32> to vector<16xf32>
        %add3A_334 = arith.addf %get3A_329, %get3A_333 : vector<16xf32>
        %mul3A_335 = arith.mulf %add3A_334, %bitcast_convert_type3A_321 : vector<16xf32>
        %swap3A_336 = arith.index_cast %mul3A_271 : i32 to index
        %swap3A_337 = arith.constant 16 : index
        %swap3A_338 = tpu.vector_load %arg18[%swap3A_336, %swap3A_337] {strides = array<i32>} : memref<80x128xf32, #tpu.memory_space<vmem>>, vector<1x16xf32>,
        %swap3A_339 = vector.shape_cast %swap3A_338 : vector<1x16xf32> to vector<16xf32>
        %swap3A_340 = vector.shape_cast %mul3A_335 : vector<16xf32> to vector<1x16xf32>
        tpu.vector_store %arg18[%swap3A_336, %swap3A_337], %swap3A_340 {strides = array<i32>} : memref<80x128xf32, #tpu.memory_space<vmem>>, vector<1x16xf32>,
        %get3A_341 = arith.index_cast %add3A_275 : i32 to index
        %get3A_342 = arith.constant 16 : index
        %get3A_343 = tpu.vector_load %arg12[%get3A_341, %get3A_342] {strides = array<i32>} : memref<80x128xf32, #tpu.memory_space<vmem>>, vector<1x16xf32>,
        %get3A_344 = vector.shape_cast %get3A_343 : vector<1x16xf32> to vector<16xf32>
        %get3A_345 = arith.index_cast %add3A_275 : i32 to index
        %get3A_346 = arith.constant 16 : index
        %get3A_347 = tpu.vector_load %arg14[%get3A_345, %get3A_346] {strides = array<i32>} : memref<80x128xf32, #tpu.memory_space<vmem>>, vector<1x16xf32>,
        %get3A_348 = vector.shape_cast %get3A_347 : vector<1x16xf32> to vector<16xf32>
        %add3A_349 = arith.addf %get3A_344, %get3A_348 : vector<16xf32>
        %mul3A_350 = arith.mulf %add3A_349, %bitcast_convert_type3A_325 : vector<16xf32>
        %swap3A_351 = arith.index_cast %add3A_275 : i32 to index
        %swap3A_352 = arith.constant 16 : index
        %swap3A_353 = tpu.vector_load %arg18[%swap3A_351, %swap3A_352] {strides = array<i32>} : memref<80x128xf32, #tpu.memory_space<vmem>>, vector<1x16xf32>,
        %swap3A_354 = vector.shape_cast %swap3A_353 : vector<1x16xf32> to vector<16xf32>
        %swap3A_355 = vector.shape_cast %mul3A_350 : vector<16xf32> to vector<1x16xf32>
        tpu.vector_store %arg18[%swap3A_351, %swap3A_352], %swap3A_355 {strides = array<i32>} : memref<80x128xf32, #tpu.memory_space<vmem>>, vector<1x16xf32>,
        %get3A_356 = arith.index_cast %scan3A_269 : i32 to index
        %get3A_357 = arith.constant 32 : index
        %get3A_358 = tpu.vector_load %arg16[%get3A_356, %get3A_357] {strides = array<i32>} : memref<40x128xi32, #tpu.memory_space<vmem>>, vector<1x16xi32>,
        %get3A_359 = vector.shape_cast %get3A_358 : vector<1x16xi32> to vector<16xi32>
        %shift_left3A_360 = arith.constant 16 : i32
        %shift_left3A_361 = vector.broadcast %shift_left3A_360 : i32 to vector<16xi32>
        %shift_left3A_362 = arith.shli %get3A_359, %shift_left3A_361 : vector<16xi32>
        %bitcast_convert_type3A_363 = tpu.bitcast %shift_left3A_362 : vector<16xi32> -> vector<16xf32>
        %and3A_364 = arith.constant -65536 : i32
        %and3A_365 = vector.broadcast %and3A_364 : i32 to vector<16xi32>
        %and3A_366 = arith.andi %get3A_359, %and3A_365 : vector<16xi32>
        %bitcast_convert_type3A_367 = tpu.bitcast %and3A_366 : vector<16xi32> -> vector<16xf32>
        %get3A_368 = arith.index_cast %mul3A_271 : i32 to index
        %get3A_369 = arith.constant 32 : index
        %get3A_370 = tpu.vector_load %arg12[%get3A_368, %get3A_369] {strides = array<i32>} : memref<80x128xf32, #tpu.memory_space<vmem>>, vector<1x16xf32>,
        %get3A_371 = vector.shape_cast %get3A_370 : vector<1x16xf32> to vector<16xf32>
        %get3A_372 = arith.index_cast %mul3A_271 : i32 to index
        %get3A_373 = arith.constant 32 : index
        %get3A_374 = tpu.vector_load %arg14[%get3A_372, %get3A_373] {strides = array<i32>} : memref<80x128xf32, #tpu.memory_space<vmem>>, vector<1x16xf32>,
        %get3A_375 = vector.shape_cast %get3A_374 : vector<1x16xf32> to vector<16xf32>
        %add3A_376 = arith.addf %get3A_371, %get3A_375 : vector<16xf32>
        %mul3A_377 = arith.mulf %add3A_376, %bitcast_convert_type3A_363 : vector<16xf32>
        %swap3A_378 = arith.index_cast %mul3A_271 : i32 to index
        %swap3A_379 = arith.constant 32 : index
        %swap3A_380 = tpu.vector_load %arg18[%swap3A_378, %swap3A_379] {strides = array<i32>} : memref<80x128xf32, #tpu.memory_space<vmem>>, vector<1x16xf32>,
        %swap3A_381 = vector.shape_cast %swap3A_380 : vector<1x16xf32> to vector<16xf32>
        %swap3A_382 = vector.shape_cast %mul3A_377 : vector<16xf32> to vector<1x16xf32>
        tpu.vector_store %arg18[%swap3A_378, %swap3A_379], %swap3A_382 {strides = array<i32>} : memref<80x128xf32, #tpu.memory_space<vmem>>, vector<1x16xf32>,
        %get3A_383 = arith.index_cast %add3A_275 : i32 to index
        %get3A_384 = arith.constant 32 : index
        %get3A_385 = tpu.vector_load %arg12[%get3A_383, %get3A_384] {strides = array<i32>} : memref<80x128xf32, #tpu.memory_space<vmem>>, vector<1x16xf32>,
        %get3A_386 = vector.shape_cast %get3A_385 : vector<1x16xf32> to vector<16xf32>
        %get3A_387 = arith.index_cast %add3A_275 : i32 to index
        %get3A_388 = arith.constant 32 : index
        %get3A_389 = tpu.vector_load %arg14[%get3A_387, %get3A_388] {strides = array<i32>} : memref<80x128xf32, #tpu.memory_space<vmem>>, vector<1x16xf32>,
        %get3A_390 = vector.shape_cast %get3A_389 : vector<1x16xf32> to vector<16xf32>
        %add3A_391 = arith.addf %get3A_386, %get3A_390 : vector<16xf32>
        %mul3A_392 = arith.mulf %add3A_391, %bitcast_convert_type3A_367 : vector<16xf32>
        %swap3A_393 = arith.index_cast %add3A_275 : i32 to index
        %swap3A_394 = arith.constant 32 : index
        %swap3A_395 = tpu.vector_load %arg18[%swap3A_393, %swap3A_394] {strides = array<i32>} : memref<80x128xf32, #tpu.memory_space<vmem>>, vector<1x16xf32>,
        %swap3A_396 = vector.shape_cast %swap3A_395 : vector<1x16xf32> to vector<16xf32>
        %swap3A_397 = vector.shape_cast %mul3A_392 : vector<16xf32> to vector<1x16xf32>
        tpu.vector_store %arg18[%swap3A_393, %swap3A_394], %swap3A_397 {strides = array<i32>} : memref<80x128xf32, #tpu.memory_space<vmem>>, vector<1x16xf32>,
        %get3A_398 = arith.index_cast %scan3A_269 : i32 to index
        %get3A_399 = arith.constant 48 : index
        %get3A_400 = tpu.vector_load %arg16[%get3A_398, %get3A_399] {strides = array<i32>} : memref<40x128xi32, #tpu.memory_space<vmem>>, vector<1x16xi32>,
        %get3A_401 = vector.shape_cast %get3A_400 : vector<1x16xi32> to vector<16xi32>
        %shift_left3A_402 = arith.constant 16 : i32
        %shift_left3A_403 = vector.broadcast %shift_left3A_402 : i32 to vector<16xi32>
        %shift_left3A_404 = arith.shli %get3A_401, %shift_left3A_403 : vector<16xi32>
        %bitcast_convert_type3A_405 = tpu.bitcast %shift_left3A_404 : vector<16xi32> -> vector<16xf32>
        %and3A_406 = arith.constant -65536 : i32
        %and3A_407 = vector.broadcast %and3A_406 : i32 to vector<16xi32>
        %and3A_408 = arith.andi %get3A_401, %and3A_407 : vector<16xi32>
        %bitcast_convert_type3A_409 = tpu.bitcast %and3A_408 : vector<16xi32> -> vector<16xf32>
        %get3A_410 = arith.index_cast %mul3A_271 : i32 to index
        %get3A_411 = arith.constant 48 : index
        %get3A_412 = tpu.vector_load %arg12[%get3A_410, %get3A_411] {strides = array<i32>} : memref<80x128xf32, #tpu.memory_space<vmem>>, vector<1x16xf32>,
        %get3A_413 = vector.shape_cast %get3A_412 : vector<1x16xf32> to vector<16xf32>
        %get3A_414 = arith.index_cast %mul3A_271 : i32 to index
        %get3A_415 = arith.constant 48 : index
        %get3A_416 = tpu.vector_load %arg14[%get3A_414, %get3A_415] {strides = array<i32>} : memref<80x128xf32, #tpu.memory_space<vmem>>, vector<1x16xf32>,
        %get3A_417 = vector.shape_cast %get3A_416 : vector<1x16xf32> to vector<16xf32>
        %add3A_418 = arith.addf %get3A_413, %get3A_417 : vector<16xf32>
        %mul3A_419 = arith.mulf %add3A_418, %bitcast_convert_type3A_405 : vector<16xf32>
        %swap3A_420 = arith.index_cast %mul3A_271 : i32 to index
        %swap3A_421 = arith.constant 48 : index
        %swap3A_422 = tpu.vector_load %arg18[%swap3A_420, %swap3A_421] {strides = array<i32>} : memref<80x128xf32, #tpu.memory_space<vmem>>, vector<1x16xf32>,
        %swap3A_423 = vector.shape_cast %swap3A_422 : vector<1x16xf32> to vector<16xf32>
        %swap3A_424 = vector.shape_cast %mul3A_419 : vector<16xf32> to vector<1x16xf32>
        tpu.vector_store %arg18[%swap3A_420, %swap3A_421], %swap3A_424 {strides = array<i32>} : memref<80x128xf32, #tpu.memory_space<vmem>>, vector<1x16xf32>,
        %get3A_425 = arith.index_cast %add3A_275 : i32 to index
        %get3A_426 = arith.constant 48 : index
        %get3A_427 = tpu.vector_load %arg12[%get3A_425, %get3A_426] {strides = array<i32>} : memref<80x128xf32, #tpu.memory_space<vmem>>, vector<1x16xf32>,
        %get3A_428 = vector.shape_cast %get3A_427 : vector<1x16xf32> to vector<16xf32>
        %get3A_429 = arith.index_cast %add3A_275 : i32 to index
        %get3A_430 = arith.constant 48 : index
        %get3A_431 = tpu.vector_load %arg14[%get3A_429, %get3A_430] {strides = array<i32>} : memref<80x128xf32, #tpu.memory_space<vmem>>, vector<1x16xf32>,
        %get3A_432 = vector.shape_cast %get3A_431 : vector<1x16xf32> to vector<16xf32>
        %add3A_433 = arith.addf %get3A_428, %get3A_432 : vector<16xf32>
        %mul3A_434 = arith.mulf %add3A_433, %bitcast_convert_type3A_409 : vector<16xf32>
        %swap3A_435 = arith.index_cast %add3A_275 : i32 to index
        %swap3A_436 = arith.constant 48 : index
        %swap3A_437 = tpu.vector_load %arg18[%swap3A_435, %swap3A_436] {strides = array<i32>} : memref<80x128xf32, #tpu.memory_space<vmem>>, vector<1x16xf32>,
        %swap3A_438 = vector.shape_cast %swap3A_437 : vector<1x16xf32> to vector<16xf32>
        %swap3A_439 = vector.shape_cast %mul3A_434 : vector<16xf32> to vector<1x16xf32>
        tpu.vector_store %arg18[%swap3A_435, %swap3A_436], %swap3A_439 {strides = array<i32>} : memref<80x128xf32, #tpu.memory_space<vmem>>, vector<1x16xf32>,
        %get3A_440 = arith.index_cast %scan3A_269 : i32 to index
        %get3A_441 = arith.constant 64 : index
        %get3A_442 = tpu.vector_load %arg16[%get3A_440, %get3A_441] {strides = array<i32>} : memref<40x128xi32, #tpu.memory_space<vmem>>, vector<1x16xi32>,
        %get3A_443 = vector.shape_cast %get3A_442 : vector<1x16xi32> to vector<16xi32>
        %shift_left3A_444 = arith.constant 16 : i32
        %shift_left3A_445 = vector.broadcast %shift_left3A_444 : i32 to vector<16xi32>
        %shift_left3A_446 = arith.shli %get3A_443, %shift_left3A_445 : vector<16xi32>
        %bitcast_convert_type3A_447 = tpu.bitcast %shift_left3A_446 : vector<16xi32> -> vector<16xf32>
        %and3A_448 = arith.constant -65536 : i32
        %and3A_449 = vector.broadcast %and3A_448 : i32 to vector<16xi32>
        %and3A_450 = arith.andi %get3A_443, %and3A_449 : vector<16xi32>
        %bitcast_convert_type3A_451 = tpu.bitcast %and3A_450 : vector<16xi32> -> vector<16xf32>
        %get3A_452 = arith.index_cast %mul3A_271 : i32 to index
        %get3A_453 = arith.constant 64 : index
        %get3A_454 = tpu.vector_load %arg12[%get3A_452, %get3A_453] {strides = array<i32>} : memref<80x128xf32, #tpu.memory_space<vmem>>, vector<1x16xf32>,
        %get3A_455 = vector.shape_cast %get3A_454 : vector<1x16xf32> to vector<16xf32>
        %get3A_456 = arith.index_cast %mul3A_271 : i32 to index
        %get3A_457 = arith.constant 64 : index
        %get3A_458 = tpu.vector_load %arg14[%get3A_456, %get3A_457] {strides = array<i32>} : memref<80x128xf32, #tpu.memory_space<vmem>>, vector<1x16xf32>,
        %get3A_459 = vector.shape_cast %get3A_458 : vector<1x16xf32> to vector<16xf32>
        %add3A_460 = arith.addf %get3A_455, %get3A_459 : vector<16xf32>
        %mul3A_461 = arith.mulf %add3A_460, %bitcast_convert_type3A_447 : vector<16xf32>
        %swap3A_462 = arith.index_cast %mul3A_271 : i32 to index
        %swap3A_463 = arith.constant 64 : index
        %swap3A_464 = tpu.vector_load %arg18[%swap3A_462, %swap3A_463] {strides = array<i32>} : memref<80x128xf32, #tpu.memory_space<vmem>>, vector<1x16xf32>,
        %swap3A_465 = vector.shape_cast %swap3A_464 : vector<1x16xf32> to vector<16xf32>
        %swap3A_466 = vector.shape_cast %mul3A_461 : vector<16xf32> to vector<1x16xf32>
        tpu.vector_store %arg18[%swap3A_462, %swap3A_463], %swap3A_466 {strides = array<i32>} : memref<80x128xf32, #tpu.memory_space<vmem>>, vector<1x16xf32>,
        %get3A_467 = arith.index_cast %add3A_275 : i32 to index
        %get3A_468 = arith.constant 64 : index
        %get3A_469 = tpu.vector_load %arg12[%get3A_467, %get3A_468] {strides = array<i32>} : memref<80x128xf32, #tpu.memory_space<vmem>>, vector<1x16xf32>,
        %get3A_470 = vector.shape_cast %get3A_469 : vector<1x16xf32> to vector<16xf32>
        %get3A_471 = arith.index_cast %add3A_275 : i32 to index
        %get3A_472 = arith.constant 64 : index
        %get3A_473 = tpu.vector_load %arg14[%get3A_471, %get3A_472] {strides = array<i32>} : memref<80x128xf32, #tpu.memory_space<vmem>>, vector<1x16xf32>,
        %get3A_474 = vector.shape_cast %get3A_473 : vector<1x16xf32> to vector<16xf32>
        %add3A_475 = arith.addf %get3A_470, %get3A_474 : vector<16xf32>
        %mul3A_476 = arith.mulf %add3A_475, %bitcast_convert_type3A_451 : vector<16xf32>
        %swap3A_477 = arith.index_cast %add3A_275 : i32 to index
        %swap3A_478 = arith.constant 64 : index
        %swap3A_479 = tpu.vector_load %arg18[%swap3A_477, %swap3A_478] {strides = array<i32>} : memref<80x128xf32, #tpu.memory_space<vmem>>, vector<1x16xf32>,
        %swap3A_480 = vector.shape_cast %swap3A_479 : vector<1x16xf32> to vector<16xf32>
        %swap3A_481 = vector.shape_cast %mul3A_476 : vector<16xf32> to vector<1x16xf32>
        tpu.vector_store %arg18[%swap3A_477, %swap3A_478], %swap3A_481 {strides = array<i32>} : memref<80x128xf32, #tpu.memory_space<vmem>>, vector<1x16xf32>,
        %get3A_482 = arith.index_cast %scan3A_269 : i32 to index
        %get3A_483 = arith.constant 80 : index
        %get3A_484 = tpu.vector_load %arg16[%get3A_482, %get3A_483] {strides = array<i32>} : memref<40x128xi32, #tpu.memory_space<vmem>>, vector<1x16xi32>,
        %get3A_485 = vector.shape_cast %get3A_484 : vector<1x16xi32> to vector<16xi32>
        %shift_left3A_486 = arith.constant 16 : i32
        %shift_left3A_487 = vector.broadcast %shift_left3A_486 : i32 to vector<16xi32>
        %shift_left3A_488 = arith.shli %get3A_485, %shift_left3A_487 : vector<16xi32>
        %bitcast_convert_type3A_489 = tpu.bitcast %shift_left3A_488 : vector<16xi32> -> vector<16xf32>
        %and3A_490 = arith.constant -65536 : i32
        %and3A_491 = vector.broadcast %and3A_490 : i32 to vector<16xi32>
        %and3A_492 = arith.andi %get3A_485, %and3A_491 : vector<16xi32>
        %bitcast_convert_type3A_493 = tpu.bitcast %and3A_492 : vector<16xi32> -> vector<16xf32>
        %get3A_494 = arith.index_cast %mul3A_271 : i32 to index
        %get3A_495 = arith.constant 80 : index
        %get3A_496 = tpu.vector_load %arg12[%get3A_494, %get3A_495] {strides = array<i32>} : memref<80x128xf32, #tpu.memory_space<vmem>>, vector<1x16xf32>,
        %get3A_497 = vector.shape_cast %get3A_496 : vector<1x16xf32> to vector<16xf32>
        %get3A_498 = arith.index_cast %mul3A_271 : i32 to index
        %get3A_499 = arith.constant 80 : index
        %get3A_500 = tpu.vector_load %arg14[%get3A_498, %get3A_499] {strides = array<i32>} : memref<80x128xf32, #tpu.memory_space<vmem>>, vector<1x16xf32>,
        %get3A_501 = vector.shape_cast %get3A_500 : vector<1x16xf32> to vector<16xf32>
        %add3A_502 = arith.addf %get3A_497, %get3A_501 : vector<16xf32>
        %mul3A_503 = arith.mulf %add3A_502, %bitcast_convert_type3A_489 : vector<16xf32>
        %swap3A_504 = arith.index_cast %mul3A_271 : i32 to index
        %swap3A_505 = arith.constant 80 : index
        %swap3A_506 = tpu.vector_load %arg18[%swap3A_504, %swap3A_505] {strides = array<i32>} : memref<80x128xf32, #tpu.memory_space<vmem>>, vector<1x16xf32>,
        %swap3A_507 = vector.shape_cast %swap3A_506 : vector<1x16xf32> to vector<16xf32>
        %swap3A_508 = vector.shape_cast %mul3A_503 : vector<16xf32> to vector<1x16xf32>
        tpu.vector_store %arg18[%swap3A_504, %swap3A_505], %swap3A_508 {strides = array<i32>} : memref<80x128xf32, #tpu.memory_space<vmem>>, vector<1x16xf32>,
        %get3A_509 = arith.index_cast %add3A_275 : i32 to index
        %get3A_510 = arith.constant 80 : index
        %get3A_511 = tpu.vector_load %arg12[%get3A_509, %get3A_510] {strides = array<i32>} : memref<80x128xf32, #tpu.memory_space<vmem>>, vector<1x16xf32>,
        %get3A_512 = vector.shape_cast %get3A_511 : vector<1x16xf32> to vector<16xf32>
        %get3A_513 = arith.index_cast %add3A_275 : i32 to index
        %get3A_514 = arith.constant 80 : index
        %get3A_515 = tpu.vector_load %arg14[%get3A_513, %get3A_514] {strides = array<i32>} : memref<80x128xf32, #tpu.memory_space<vmem>>, vector<1x16xf32>,
        %get3A_516 = vector.shape_cast %get3A_515 : vector<1x16xf32> to vector<16xf32>
        %add3A_517 = arith.addf %get3A_512, %get3A_516 : vector<16xf32>
        %mul3A_518 = arith.mulf %add3A_517, %bitcast_convert_type3A_493 : vector<16xf32>
        %swap3A_519 = arith.index_cast %add3A_275 : i32 to index
        %swap3A_520 = arith.constant 80 : index
        %swap3A_521 = tpu.vector_load %arg18[%swap3A_519, %swap3A_520] {strides = array<i32>} : memref<80x128xf32, #tpu.memory_space<vmem>>, vector<1x16xf32>,
        %swap3A_522 = vector.shape_cast %swap3A_521 : vector<1x16xf32> to vector<16xf32>
        %swap3A_523 = vector.shape_cast %mul3A_518 : vector<16xf32> to vector<1x16xf32>
        tpu.vector_store %arg18[%swap3A_519, %swap3A_520], %swap3A_523 {strides = array<i32>} : memref<80x128xf32, #tpu.memory_space<vmem>>, vector<1x16xf32>,
        %get3A_524 = arith.index_cast %scan3A_269 : i32 to index
        %get3A_525 = arith.constant 96 : index
        %get3A_526 = tpu.vector_load %arg16[%get3A_524, %get3A_525] {strides = array<i32>} : memref<40x128xi32, #tpu.memory_space<vmem>>, vector<1x16xi32>,
        %get3A_527 = vector.shape_cast %get3A_526 : vector<1x16xi32> to vector<16xi32>
        %shift_left3A_528 = arith.constant 16 : i32
        %shift_left3A_529 = vector.broadcast %shift_left3A_528 : i32 to vector<16xi32>
        %shift_left3A_530 = arith.shli %get3A_527, %shift_left3A_529 : vector<16xi32>
        %bitcast_convert_type3A_531 = tpu.bitcast %shift_left3A_530 : vector<16xi32> -> vector<16xf32>
        %and3A_532 = arith.constant -65536 : i32
        %and3A_533 = vector.broadcast %and3A_532 : i32 to vector<16xi32>
        %and3A_534 = arith.andi %get3A_527, %and3A_533 : vector<16xi32>
        %bitcast_convert_type3A_535 = tpu.bitcast %and3A_534 : vector<16xi32> -> vector<16xf32>
        %get3A_536 = arith.index_cast %mul3A_271 : i32 to index
        %get3A_537 = arith.constant 96 : index
        %get3A_538 = tpu.vector_load %arg12[%get3A_536, %get3A_537] {strides = array<i32>} : memref<80x128xf32, #tpu.memory_space<vmem>>, vector<1x16xf32>,
        %get3A_539 = vector.shape_cast %get3A_538 : vector<1x16xf32> to vector<16xf32>
        %get3A_540 = arith.index_cast %mul3A_271 : i32 to index
        %get3A_541 = arith.constant 96 : index
        %get3A_542 = tpu.vector_load %arg14[%get3A_540, %get3A_541] {strides = array<i32>} : memref<80x128xf32, #tpu.memory_space<vmem>>, vector<1x16xf32>,
        %get3A_543 = vector.shape_cast %get3A_542 : vector<1x16xf32> to vector<16xf32>
        %add3A_544 = arith.addf %get3A_539, %get3A_543 : vector<16xf32>
        %mul3A_545 = arith.mulf %add3A_544, %bitcast_convert_type3A_531 : vector<16xf32>
        %swap3A_546 = arith.index_cast %mul3A_271 : i32 to index
        %swap3A_547 = arith.constant 96 : index
        %swap3A_548 = tpu.vector_load %arg18[%swap3A_546, %swap3A_547] {strides = array<i32>} : memref<80x128xf32, #tpu.memory_space<vmem>>, vector<1x16xf32>,
        %swap3A_549 = vector.shape_cast %swap3A_548 : vector<1x16xf32> to vector<16xf32>
        %swap3A_550 = vector.shape_cast %mul3A_545 : vector<16xf32> to vector<1x16xf32>
        tpu.vector_store %arg18[%swap3A_546, %swap3A_547], %swap3A_550 {strides = array<i32>} : memref<80x128xf32, #tpu.memory_space<vmem>>, vector<1x16xf32>,
        %get3A_551 = arith.index_cast %add3A_275 : i32 to index
        %get3A_552 = arith.constant 96 : index
        %get3A_553 = tpu.vector_load %arg12[%get3A_551, %get3A_552] {strides = array<i32>} : memref<80x128xf32, #tpu.memory_space<vmem>>, vector<1x16xf32>,
        %get3A_554 = vector.shape_cast %get3A_553 : vector<1x16xf32> to vector<16xf32>
        %get3A_555 = arith.index_cast %add3A_275 : i32 to index
        %get3A_556 = arith.constant 96 : index
        %get3A_557 = tpu.vector_load %arg14[%get3A_555, %get3A_556] {strides = array<i32>} : memref<80x128xf32, #tpu.memory_space<vmem>>, vector<1x16xf32>,
        %get3A_558 = vector.shape_cast %get3A_557 : vector<1x16xf32> to vector<16xf32>
        %add3A_559 = arith.addf %get3A_554, %get3A_558 : vector<16xf32>
        %mul3A_560 = arith.mulf %add3A_559, %bitcast_convert_type3A_535 : vector<16xf32>
        %swap3A_561 = arith.index_cast %add3A_275 : i32 to index
        %swap3A_562 = arith.constant 96 : index
        %swap3A_563 = tpu.vector_load %arg18[%swap3A_561, %swap3A_562] {strides = array<i32>} : memref<80x128xf32, #tpu.memory_space<vmem>>, vector<1x16xf32>,
        %swap3A_564 = vector.shape_cast %swap3A_563 : vector<1x16xf32> to vector<16xf32>
        %swap3A_565 = vector.shape_cast %mul3A_560 : vector<16xf32> to vector<1x16xf32>
        tpu.vector_store %arg18[%swap3A_561, %swap3A_562], %swap3A_565 {strides = array<i32>} : memref<80x128xf32, #tpu.memory_space<vmem>>, vector<1x16xf32>,
        %get3A_566 = arith.index_cast %scan3A_269 : i32 to index
        %get3A_567 = arith.constant 112 : index
        %get3A_568 = tpu.vector_load %arg16[%get3A_566, %get3A_567] {strides = array<i32>} : memref<40x128xi32, #tpu.memory_space<vmem>>, vector<1x16xi32>,
        %get3A_569 = vector.shape_cast %get3A_568 : vector<1x16xi32> to vector<16xi32>
        %shift_left3A_570 = arith.constant 16 : i32
        %shift_left3A_571 = vector.broadcast %shift_left3A_570 : i32 to vector<16xi32>
        %shift_left3A_572 = arith.shli %get3A_569, %shift_left3A_571 : vector<16xi32>
        %bitcast_convert_type3A_573 = tpu.bitcast %shift_left3A_572 : vector<16xi32> -> vector<16xf32>
        %and3A_574 = arith.constant -65536 : i32
        %and3A_575 = vector.broadcast %and3A_574 : i32 to vector<16xi32>
        %and3A_576 = arith.andi %get3A_569, %and3A_575 : vector<16xi32>
        %bitcast_convert_type3A_577 = tpu.bitcast %and3A_576 : vector<16xi32> -> vector<16xf32>
        %get3A_578 = arith.index_cast %mul3A_271 : i32 to index
        %get3A_579 = arith.constant 112 : index
        %get3A_580 = tpu.vector_load %arg12[%get3A_578, %get3A_579] {strides = array<i32>} : memref<80x128xf32, #tpu.memory_space<vmem>>, vector<1x16xf32>,
        %get3A_581 = vector.shape_cast %get3A_580 : vector<1x16xf32> to vector<16xf32>
        %get3A_582 = arith.index_cast %mul3A_271 : i32 to index
        %get3A_583 = arith.constant 112 : index
        %get3A_584 = tpu.vector_load %arg14[%get3A_582, %get3A_583] {strides = array<i32>} : memref<80x128xf32, #tpu.memory_space<vmem>>, vector<1x16xf32>,
        %get3A_585 = vector.shape_cast %get3A_584 : vector<1x16xf32> to vector<16xf32>
        %add3A_586 = arith.addf %get3A_581, %get3A_585 : vector<16xf32>
        %mul3A_587 = arith.mulf %add3A_586, %bitcast_convert_type3A_573 : vector<16xf32>
        %swap3A_588 = arith.index_cast %mul3A_271 : i32 to index
        %swap3A_589 = arith.constant 112 : index
        %swap3A_590 = tpu.vector_load %arg18[%swap3A_588, %swap3A_589] {strides = array<i32>} : memref<80x128xf32, #tpu.memory_space<vmem>>, vector<1x16xf32>,
        %swap3A_591 = vector.shape_cast %swap3A_590 : vector<1x16xf32> to vector<16xf32>
        %swap3A_592 = vector.shape_cast %mul3A_587 : vector<16xf32> to vector<1x16xf32>
        tpu.vector_store %arg18[%swap3A_588, %swap3A_589], %swap3A_592 {strides = array<i32>} : memref<80x128xf32, #tpu.memory_space<vmem>>, vector<1x16xf32>,
        %get3A_593 = arith.index_cast %add3A_275 : i32 to index
        %get3A_594 = arith.constant 112 : index
        %get3A_595 = tpu.vector_load %arg12[%get3A_593, %get3A_594] {strides = array<i32>} : memref<80x128xf32, #tpu.memory_space<vmem>>, vector<1x16xf32>,
        %get3A_596 = vector.shape_cast %get3A_595 : vector<1x16xf32> to vector<16xf32>
        %get3A_597 = arith.index_cast %add3A_275 : i32 to index
        %get3A_598 = arith.constant 112 : index
        %get3A_599 = tpu.vector_load %arg14[%get3A_597, %get3A_598] {strides = array<i32>} : memref<80x128xf32, #tpu.memory_space<vmem>>, vector<1x16xf32>,
        %get3A_600 = vector.shape_cast %get3A_599 : vector<1x16xf32> to vector<16xf32>
        %add3A_601 = arith.addf %get3A_596, %get3A_600 : vector<16xf32>
        %mul3A_602 = arith.mulf %add3A_601, %bitcast_convert_type3A_577 : vector<16xf32>
        %swap3A_603 = arith.index_cast %add3A_275 : i32 to index
        %swap3A_604 = arith.constant 112 : index
        %swap3A_605 = tpu.vector_load %arg18[%swap3A_603, %swap3A_604] {strides = array<i32>} : memref<80x128xf32, #tpu.memory_space<vmem>>, vector<1x16xf32>,
        %swap3A_606 = vector.shape_cast %swap3A_605 : vector<1x16xf32> to vector<16xf32>
        %swap3A_607 = vector.shape_cast %mul3A_602 : vector<16xf32> to vector<1x16xf32>
        tpu.vector_store %arg18[%swap3A_603, %swap3A_604], %swap3A_607 {strides = array<i32>} : memref<80x128xf32, #tpu.memory_space<vmem>>, vector<1x16xf32>,
      }
      %scan3A_261 = arith.constant 40 : i32
      %mul3A_262 = arith.constant 80 : i32
      %mul3A_263 = arith.muli %add3A_183, %mul3A_262 : i32
      %add3A_264 = arith.addi %mul3A_2, %mul3A_263 : i32
      %dma_start3A_265 = arith.constant 0 : i32
      %dma_start3A_266 = tpu.memref_slice %arg6[%add3A_264, %dma_start3A_265] : memref<320000x128xf32, #tpu.memory_space<hbm>> -> memref<80x128xf32, #tpu.memory_space<hbm>>
      %dma_start3A_267 = arith.constant 0 : i32
      %dma_start3A_268 = tpu.memref_slice %arg6[%add3A_264, %dma_start3A_267] : memref<320000x128xf32, #tpu.memory_space<hbm>> -> memref<80x128xf32, #tpu.memory_space<hbm>>
      tpu.enqueue_dma source(%arg18 : memref<80x128xf32, #tpu.memory_space<vmem>>) target(%dma_start3A_268 : memref<80x128xf32, #tpu.memory_space<hbm>>) target_semaphore(%arg30 : memref<!tpu.dma_semaphore, #tpu.memory_space<semaphore_mem>>)
    }
    %scan3A_53 = arith.constant 62 : i32
    %dma_wait3A_54 = arith.constant 0 : i32
    %dma_wait3A_55 = arith.constant 0 : i32
    %dma_wait3A_56 = tpu.memref_slice %arg5[%dma_wait3A_54, %dma_wait3A_55] : memref<10000x128xf32, #tpu.memory_space<hbm>> -> memref<10000x128xf32, #tpu.memory_space<hbm>>
    tpu.wait_indirect_dma semaphore(%arg23 : memref<!tpu.dma_semaphore, #tpu.memory_space<semaphore_mem>>) src(%dma_wait3A_56 : memref<10000x128xf32, #tpu.memory_space<hbm>>) dst(%arg11 : memref<80x128xf32, #tpu.memory_space<vmem>>)
    %dma_wait3A_57 = arith.constant 0 : i32
    %dma_wait3A_58 = arith.constant 0 : i32
    %dma_wait3A_59 = tpu.memref_slice %arg5[%dma_wait3A_57, %dma_wait3A_58] : memref<10000x128xf32, #tpu.memory_space<hbm>> -> memref<10000x128xf32, #tpu.memory_space<hbm>>
    tpu.wait_indirect_dma semaphore(%arg25 : memref<!tpu.dma_semaphore, #tpu.memory_space<semaphore_mem>>) src(%dma_wait3A_59 : memref<10000x128xf32, #tpu.memory_space<hbm>>) dst(%arg13 : memref<80x128xf32, #tpu.memory_space<vmem>>)
    %dma_wait3A_60 = arith.constant 0 : i32
    %dma_wait3A_61 = arith.constant 0 : i32
    %dma_wait3A_62 = tpu.memref_slice %arg4[%dma_wait3A_60, %dma_wait3A_61] : memref<160000x128xi32, #tpu.memory_space<hbm>> -> memref<40x128xi32, #tpu.memory_space<hbm>>
    %dma_wait3A_63 = arith.constant 0 : i32
    %dma_wait3A_64 = arith.constant 0 : i32
    %dma_wait3A_65 = tpu.memref_slice %arg4[%dma_wait3A_63, %dma_wait3A_64] : memref<160000x128xi32, #tpu.memory_space<hbm>> -> memref<40x128xi32, #tpu.memory_space<hbm>>
    tpu.wait_dma2 semaphore(%arg27 : memref<!tpu.dma_semaphore, #tpu.memory_space<semaphore_mem>>) src(%dma_wait3A_65 : memref<40x128xi32, #tpu.memory_space<hbm>>) dst(%arg15 : memref<40x128xi32, #tpu.memory_space<vmem>>)
    %dma_wait3A_66 = arith.constant 0 : i32
    %dma_wait3A_67 = arith.constant 0 : i32
    %dma_wait3A_68 = tpu.memref_slice %arg6[%dma_wait3A_66, %dma_wait3A_67] : memref<320000x128xf32, #tpu.memory_space<hbm>> -> memref<80x128xf32, #tpu.memory_space<hbm>>
    %dma_wait3A_69 = arith.constant 0 : i32
    %dma_wait3A_70 = arith.constant 0 : i32
    %dma_wait3A_71 = tpu.memref_slice %arg6[%dma_wait3A_69, %dma_wait3A_70] : memref<320000x128xf32, #tpu.memory_space<hbm>> -> memref<80x128xf32, #tpu.memory_space<hbm>>
    tpu.wait_dma2 semaphore(%arg29 : memref<!tpu.dma_semaphore, #tpu.memory_space<semaphore_mem>>) src(%arg17 : memref<80x128xf32, #tpu.memory_space<vmem>>) dst(%dma_wait3A_71 : memref<80x128xf32, #tpu.memory_space<hbm>>)
    %scan3A_72 = arith.constant 0 : i32
    %scan3A_73 = arith.constant 0 : i32
    %scan3A_74 = arith.constant 40 : i32
    %scan3A_75 = arith.addi %scan3A_73, %scan3A_74 : i32
    %scan3A_76 = arith.constant 1 : i32
    scf.for %scan3A_96 = %scan3A_73 to %scan3A_75 step %scan3A_76  : i32 {
      %mul3A_97 = arith.constant 2 : i32
      %mul3A_98 = arith.muli %scan3A_96, %mul3A_97 : i32
      %mul3A_99 = arith.constant 2 : i32
      %mul3A_100 = arith.muli %scan3A_96, %mul3A_99 : i32
      %add3A_101 = arith.constant 1 : i32
      %add3A_102 = arith.addi %mul3A_100, %add3A_101 : i32
      %get3A = arith.index_cast %scan3A_96 : i32 to index
      %get3A_103 = arith.constant 0 : index
      %get3A_104 = tpu.vector_load %arg15[%get3A, %get3A_103] {strides = array<i32>} : memref<40x128xi32, #tpu.memory_space<vmem>>, vector<1x16xi32>,
      %get3A_105 = vector.shape_cast %get3A_104 : vector<1x16xi32> to vector<16xi32>
      %shift_left3A = arith.constant 16 : i32
      %shift_left3A_106 = vector.broadcast %shift_left3A : i32 to vector<16xi32>
      %shift_left3A_107 = arith.shli %get3A_105, %shift_left3A_106 : vector<16xi32>
      %bitcast_convert_type3A = tpu.bitcast %shift_left3A_107 : vector<16xi32> -> vector<16xf32>
      %and3A_108 = arith.constant -65536 : i32
      %and3A_109 = vector.broadcast %and3A_108 : i32 to vector<16xi32>
      %and3A_110 = arith.andi %get3A_105, %and3A_109 : vector<16xi32>
      %bitcast_convert_type3A_111 = tpu.bitcast %and3A_110 : vector<16xi32> -> vector<16xf32>
      %get3A_112 = arith.index_cast %mul3A_98 : i32 to index
      %get3A_113 = arith.constant 0 : index
      %get3A_114 = tpu.vector_load %arg11[%get3A_112, %get3A_113] {strides = array<i32>} : memref<80x128xf32, #tpu.memory_space<vmem>>, vector<1x16xf32>,
      %get3A_115 = vector.shape_cast %get3A_114 : vector<1x16xf32> to vector<16xf32>
      %get3A_116 = arith.index_cast %mul3A_98 : i32 to index
      %get3A_117 = arith.constant 0 : index
      %get3A_118 = tpu.vector_load %arg13[%get3A_116, %get3A_117] {strides = array<i32>} : memref<80x128xf32, #tpu.memory_space<vmem>>, vector<1x16xf32>,
      %get3A_119 = vector.shape_cast %get3A_118 : vector<1x16xf32> to vector<16xf32>
      %add3A_120 = arith.addf %get3A_115, %get3A_119 : vector<16xf32>
      %mul3A_121 = arith.mulf %add3A_120, %bitcast_convert_type3A : vector<16xf32>
      %swap3A = arith.index_cast %mul3A_98 : i32 to index
      %swap3A_122 = arith.constant 0 : index
      %swap3A_123 = tpu.vector_load %arg17[%swap3A, %swap3A_122] {strides = array<i32>} : memref<80x128xf32, #tpu.memory_space<vmem>>, vector<1x16xf32>,
      %swap3A_124 = vector.shape_cast %swap3A_123 : vector<1x16xf32> to vector<16xf32>
      %swap3A_125 = vector.shape_cast %mul3A_121 : vector<16xf32> to vector<1x16xf32>
      tpu.vector_store %arg17[%swap3A, %swap3A_122], %swap3A_125 {strides = array<i32>} : memref<80x128xf32, #tpu.memory_space<vmem>>, vector<1x16xf32>,
      %get3A_126 = arith.index_cast %add3A_102 : i32 to index
      %get3A_127 = arith.constant 0 : index
      %get3A_128 = tpu.vector_load %arg11[%get3A_126, %get3A_127] {strides = array<i32>} : memref<80x128xf32, #tpu.memory_space<vmem>>, vector<1x16xf32>,
      %get3A_129 = vector.shape_cast %get3A_128 : vector<1x16xf32> to vector<16xf32>
      %get3A_130 = arith.index_cast %add3A_102 : i32 to index
      %get3A_131 = arith.constant 0 : index
      %get3A_132 = tpu.vector_load %arg13[%get3A_130, %get3A_131] {strides = array<i32>} : memref<80x128xf32, #tpu.memory_space<vmem>>, vector<1x16xf32>,
      %get3A_133 = vector.shape_cast %get3A_132 : vector<1x16xf32> to vector<16xf32>
      %add3A_134 = arith.addf %get3A_129, %get3A_133 : vector<16xf32>
      %mul3A_135 = arith.mulf %add3A_134, %bitcast_convert_type3A_111 : vector<16xf32>
      %swap3A_136 = arith.index_cast %add3A_102 : i32 to index
      %swap3A_137 = arith.constant 0 : index
      %swap3A_138 = tpu.vector_load %arg17[%swap3A_136, %swap3A_137] {strides = array<i32>} : memref<80x128xf32, #tpu.memory_space<vmem>>, vector<1x16xf32>,
      %swap3A_139 = vector.shape_cast %swap3A_138 : vector<1x16xf32> to vector<16xf32>
      %swap3A_140 = vector.shape_cast %mul3A_135 : vector<16xf32> to vector<1x16xf32>
      tpu.vector_store %arg17[%swap3A_136, %swap3A_137], %swap3A_140 {strides = array<i32>} : memref<80x128xf32, #tpu.memory_space<vmem>>, vector<1x16xf32>,
      %get3A_141 = arith.index_cast %scan3A_96 : i32 to index
      %get3A_142 = arith.constant 16 : index
      %get3A_143 = tpu.vector_load %arg15[%get3A_141, %get3A_142] {strides = array<i32>} : memref<40x128xi32, #tpu.memory_space<vmem>>, vector<1x16xi32>,
      %get3A_144 = vector.shape_cast %get3A_143 : vector<1x16xi32> to vector<16xi32>
      %shift_left3A_145 = arith.constant 16 : i32
      %shift_left3A_146 = vector.broadcast %shift_left3A_145 : i32 to vector<16xi32>
      %shift_left3A_147 = arith.shli %get3A_144, %shift_left3A_146 : vector<16xi32>
      %bitcast_convert_type3A_148 = tpu.bitcast %shift_left3A_147 : vector<16xi32> -> vector<16xf32>
      %and3A_149 = arith.constant -65536 : i32
      %and3A_150 = vector.broadcast %and3A_149 : i32 to vector<16xi32>
      %and3A_151 = arith.andi %get3A_144, %and3A_150 : vector<16xi32>
      %bitcast_convert_type3A_152 = tpu.bitcast %and3A_151 : vector<16xi32> -> vector<16xf32>
      %get3A_153 = arith.index_cast %mul3A_98 : i32 to index
      %get3A_154 = arith.constant 16 : index
      %get3A_155 = tpu.vector_load %arg11[%get3A_153, %get3A_154] {strides = array<i32>} : memref<80x128xf32, #tpu.memory_space<vmem>>, vector<1x16xf32>,
      %get3A_156 = vector.shape_cast %get3A_155 : vector<1x16xf32> to vector<16xf32>
      %get3A_157 = arith.index_cast %mul3A_98 : i32 to index
      %get3A_158 = arith.constant 16 : index
      %get3A_159 = tpu.vector_load %arg13[%get3A_157, %get3A_158] {strides = array<i32>} : memref<80x128xf32, #tpu.memory_space<vmem>>, vector<1x16xf32>,
      %get3A_160 = vector.shape_cast %get3A_159 : vector<1x16xf32> to vector<16xf32>
      %add3A_161 = arith.addf %get3A_156, %get3A_160 : vector<16xf32>
      %mul3A_162 = arith.mulf %add3A_161, %bitcast_convert_type3A_148 : vector<16xf32>
      %swap3A_163 = arith.index_cast %mul3A_98 : i32 to index
      %swap3A_164 = arith.constant 16 : index
      %swap3A_165 = tpu.vector_load %arg17[%swap3A_163, %swap3A_164] {strides = array<i32>} : memref<80x128xf32, #tpu.memory_space<vmem>>, vector<1x16xf32>,
      %swap3A_166 = vector.shape_cast %swap3A_165 : vector<1x16xf32> to vector<16xf32>
      %swap3A_167 = vector.shape_cast %mul3A_162 : vector<16xf32> to vector<1x16xf32>
      tpu.vector_store %arg17[%swap3A_163, %swap3A_164], %swap3A_167 {strides = array<i32>} : memref<80x128xf32, #tpu.memory_space<vmem>>, vector<1x16xf32>,
      %get3A_168 = arith.index_cast %add3A_102 : i32 to index
      %get3A_169 = arith.constant 16 : index
      %get3A_170 = tpu.vector_load %arg11[%get3A_168, %get3A_169] {strides = array<i32>} : memref<80x128xf32, #tpu.memory_space<vmem>>, vector<1x16xf32>,
      %get3A_171 = vector.shape_cast %get3A_170 : vector<1x16xf32> to vector<16xf32>
      %get3A_172 = arith.index_cast %add3A_102 : i32 to index
      %get3A_173 = arith.constant 16 : index
      %get3A_174 = tpu.vector_load %arg13[%get3A_172, %get3A_173] {strides = array<i32>} : memref<80x128xf32, #tpu.memory_space<vmem>>, vector<1x16xf32>,
      %get3A_175 = vector.shape_cast %get3A_174 : vector<1x16xf32> to vector<16xf32>
      %add3A_176 = arith.addf %get3A_171, %get3A_175 : vector<16xf32>
      %mul3A_177 = arith.mulf %add3A_176, %bitcast_convert_type3A_152 : vector<16xf32>
      %swap3A_178 = arith.index_cast %add3A_102 : i32 to index
      %swap3A_179 = arith.constant 16 : index
      %swap3A_180 = tpu.vector_load %arg17[%swap3A_178, %swap3A_179] {strides = array<i32>} : memref<80x128xf32, #tpu.memory_space<vmem>>, vector<1x16xf32>,
      %swap3A_181 = vector.shape_cast %swap3A_180 : vector<1x16xf32> to vector<16xf32>
      %swap3A_182 = vector.shape_cast %mul3A_177 : vector<16xf32> to vector<1x16xf32>
      tpu.vector_store %arg17[%swap3A_178, %swap3A_179], %swap3A_182 {strides = array<i32>} : memref<80x128xf32, #tpu.memory_space<vmem>>, vector<1x16xf32>,
      %get3A_183 = arith.index_cast %scan3A_96 : i32 to index
      %get3A_184 = arith.constant 32 : index
      %get3A_185 = tpu.vector_load %arg15[%get3A_183, %get3A_184] {strides = array<i32>} : memref<40x128xi32, #tpu.memory_space<vmem>>, vector<1x16xi32>,
      %get3A_186 = vector.shape_cast %get3A_185 : vector<1x16xi32> to vector<16xi32>
      %shift_left3A_187 = arith.constant 16 : i32
      %shift_left3A_188 = vector.broadcast %shift_left3A_187 : i32 to vector<16xi32>
      %shift_left3A_189 = arith.shli %get3A_186, %shift_left3A_188 : vector<16xi32>
      %bitcast_convert_type3A_190 = tpu.bitcast %shift_left3A_189 : vector<16xi32> -> vector<16xf32>
      %and3A_191 = arith.constant -65536 : i32
      %and3A_192 = vector.broadcast %and3A_191 : i32 to vector<16xi32>
      %and3A_193 = arith.andi %get3A_186, %and3A_192 : vector<16xi32>
      %bitcast_convert_type3A_194 = tpu.bitcast %and3A_193 : vector<16xi32> -> vector<16xf32>
      %get3A_195 = arith.index_cast %mul3A_98 : i32 to index
      %get3A_196 = arith.constant 32 : index
      %get3A_197 = tpu.vector_load %arg11[%get3A_195, %get3A_196] {strides = array<i32>} : memref<80x128xf32, #tpu.memory_space<vmem>>, vector<1x16xf32>,
      %get3A_198 = vector.shape_cast %get3A_197 : vector<1x16xf32> to vector<16xf32>
      %get3A_199 = arith.index_cast %mul3A_98 : i32 to index
      %get3A_200 = arith.constant 32 : index
      %get3A_201 = tpu.vector_load %arg13[%get3A_199, %get3A_200] {strides = array<i32>} : memref<80x128xf32, #tpu.memory_space<vmem>>, vector<1x16xf32>,
      %get3A_202 = vector.shape_cast %get3A_201 : vector<1x16xf32> to vector<16xf32>
      %add3A_203 = arith.addf %get3A_198, %get3A_202 : vector<16xf32>
      %mul3A_204 = arith.mulf %add3A_203, %bitcast_convert_type3A_190 : vector<16xf32>
      %swap3A_205 = arith.index_cast %mul3A_98 : i32 to index
      %swap3A_206 = arith.constant 32 : index
      %swap3A_207 = tpu.vector_load %arg17[%swap3A_205, %swap3A_206] {strides = array<i32>} : memref<80x128xf32, #tpu.memory_space<vmem>>, vector<1x16xf32>,
      %swap3A_208 = vector.shape_cast %swap3A_207 : vector<1x16xf32> to vector<16xf32>
      %swap3A_209 = vector.shape_cast %mul3A_204 : vector<16xf32> to vector<1x16xf32>
      tpu.vector_store %arg17[%swap3A_205, %swap3A_206], %swap3A_209 {strides = array<i32>} : memref<80x128xf32, #tpu.memory_space<vmem>>, vector<1x16xf32>,
      %get3A_210 = arith.index_cast %add3A_102 : i32 to index
      %get3A_211 = arith.constant 32 : index
      %get3A_212 = tpu.vector_load %arg11[%get3A_210, %get3A_211] {strides = array<i32>} : memref<80x128xf32, #tpu.memory_space<vmem>>, vector<1x16xf32>,
      %get3A_213 = vector.shape_cast %get3A_212 : vector<1x16xf32> to vector<16xf32>
      %get3A_214 = arith.index_cast %add3A_102 : i32 to index
      %get3A_215 = arith.constant 32 : index
      %get3A_216 = tpu.vector_load %arg13[%get3A_214, %get3A_215] {strides = array<i32>} : memref<80x128xf32, #tpu.memory_space<vmem>>, vector<1x16xf32>,
      %get3A_217 = vector.shape_cast %get3A_216 : vector<1x16xf32> to vector<16xf32>
      %add3A_218 = arith.addf %get3A_213, %get3A_217 : vector<16xf32>
      %mul3A_219 = arith.mulf %add3A_218, %bitcast_convert_type3A_194 : vector<16xf32>
      %swap3A_220 = arith.index_cast %add3A_102 : i32 to index
      %swap3A_221 = arith.constant 32 : index
      %swap3A_222 = tpu.vector_load %arg17[%swap3A_220, %swap3A_221] {strides = array<i32>} : memref<80x128xf32, #tpu.memory_space<vmem>>, vector<1x16xf32>,
      %swap3A_223 = vector.shape_cast %swap3A_222 : vector<1x16xf32> to vector<16xf32>
      %swap3A_224 = vector.shape_cast %mul3A_219 : vector<16xf32> to vector<1x16xf32>
      tpu.vector_store %arg17[%swap3A_220, %swap3A_221], %swap3A_224 {strides = array<i32>} : memref<80x128xf32, #tpu.memory_space<vmem>>, vector<1x16xf32>,
      %get3A_225 = arith.index_cast %scan3A_96 : i32 to index
      %get3A_226 = arith.constant 48 : index
      %get3A_227 = tpu.vector_load %arg15[%get3A_225, %get3A_226] {strides = array<i32>} : memref<40x128xi32, #tpu.memory_space<vmem>>, vector<1x16xi32>,
      %get3A_228 = vector.shape_cast %get3A_227 : vector<1x16xi32> to vector<16xi32>
      %shift_left3A_229 = arith.constant 16 : i32
      %shift_left3A_230 = vector.broadcast %shift_left3A_229 : i32 to vector<16xi32>
      %shift_left3A_231 = arith.shli %get3A_228, %shift_left3A_230 : vector<16xi32>
      %bitcast_convert_type3A_232 = tpu.bitcast %shift_left3A_231 : vector<16xi32> -> vector<16xf32>
      %and3A_233 = arith.constant -65536 : i32
      %and3A_234 = vector.broadcast %and3A_233 : i32 to vector<16xi32>
      %and3A_235 = arith.andi %get3A_228, %and3A_234 : vector<16xi32>
      %bitcast_convert_type3A_236 = tpu.bitcast %and3A_235 : vector<16xi32> -> vector<16xf32>
      %get3A_237 = arith.index_cast %mul3A_98 : i32 to index
      %get3A_238 = arith.constant 48 : index
      %get3A_239 = tpu.vector_load %arg11[%get3A_237, %get3A_238] {strides = array<i32>} : memref<80x128xf32, #tpu.memory_space<vmem>>, vector<1x16xf32>,
      %get3A_240 = vector.shape_cast %get3A_239 : vector<1x16xf32> to vector<16xf32>
      %get3A_241 = arith.index_cast %mul3A_98 : i32 to index
      %get3A_242 = arith.constant 48 : index
      %get3A_243 = tpu.vector_load %arg13[%get3A_241, %get3A_242] {strides = array<i32>} : memref<80x128xf32, #tpu.memory_space<vmem>>, vector<1x16xf32>,
      %get3A_244 = vector.shape_cast %get3A_243 : vector<1x16xf32> to vector<16xf32>
      %add3A_245 = arith.addf %get3A_240, %get3A_244 : vector<16xf32>
      %mul3A_246 = arith.mulf %add3A_245, %bitcast_convert_type3A_232 : vector<16xf32>
      %swap3A_247 = arith.index_cast %mul3A_98 : i32 to index
      %swap3A_248 = arith.constant 48 : index
      %swap3A_249 = tpu.vector_load %arg17[%swap3A_247, %swap3A_248] {strides = array<i32>} : memref<80x128xf32, #tpu.memory_space<vmem>>, vector<1x16xf32>,
      %swap3A_250 = vector.shape_cast %swap3A_249 : vector<1x16xf32> to vector<16xf32>
      %swap3A_251 = vector.shape_cast %mul3A_246 : vector<16xf32> to vector<1x16xf32>
      tpu.vector_store %arg17[%swap3A_247, %swap3A_248], %swap3A_251 {strides = array<i32>} : memref<80x128xf32, #tpu.memory_space<vmem>>, vector<1x16xf32>,
      %get3A_252 = arith.index_cast %add3A_102 : i32 to index
      %get3A_253 = arith.constant 48 : index
      %get3A_254 = tpu.vector_load %arg11[%get3A_252, %get3A_253] {strides = array<i32>} : memref<80x128xf32, #tpu.memory_space<vmem>>, vector<1x16xf32>,
      %get3A_255 = vector.shape_cast %get3A_254 : vector<1x16xf32> to vector<16xf32>
      %get3A_256 = arith.index_cast %add3A_102 : i32 to index
      %get3A_257 = arith.constant 48 : index
      %get3A_258 = tpu.vector_load %arg13[%get3A_256, %get3A_257] {strides = array<i32>} : memref<80x128xf32, #tpu.memory_space<vmem>>, vector<1x16xf32>,
      %get3A_259 = vector.shape_cast %get3A_258 : vector<1x16xf32> to vector<16xf32>
      %add3A_260 = arith.addf %get3A_255, %get3A_259 : vector<16xf32>
      %mul3A_261 = arith.mulf %add3A_260, %bitcast_convert_type3A_236 : vector<16xf32>
      %swap3A_262 = arith.index_cast %add3A_102 : i32 to index
      %swap3A_263 = arith.constant 48 : index
      %swap3A_264 = tpu.vector_load %arg17[%swap3A_262, %swap3A_263] {strides = array<i32>} : memref<80x128xf32, #tpu.memory_space<vmem>>, vector<1x16xf32>,
      %swap3A_265 = vector.shape_cast %swap3A_264 : vector<1x16xf32> to vector<16xf32>
      %swap3A_266 = vector.shape_cast %mul3A_261 : vector<16xf32> to vector<1x16xf32>
      tpu.vector_store %arg17[%swap3A_262, %swap3A_263], %swap3A_266 {strides = array<i32>} : memref<80x128xf32, #tpu.memory_space<vmem>>, vector<1x16xf32>,
      %get3A_267 = arith.index_cast %scan3A_96 : i32 to index
      %get3A_268 = arith.constant 64 : index
      %get3A_269 = tpu.vector_load %arg15[%get3A_267, %get3A_268] {strides = array<i32>} : memref<40x128xi32, #tpu.memory_space<vmem>>, vector<1x16xi32>,
      %get3A_270 = vector.shape_cast %get3A_269 : vector<1x16xi32> to vector<16xi32>
      %shift_left3A_271 = arith.constant 16 : i32
      %shift_left3A_272 = vector.broadcast %shift_left3A_271 : i32 to vector<16xi32>
      %shift_left3A_273 = arith.shli %get3A_270, %shift_left3A_272 : vector<16xi32>
      %bitcast_convert_type3A_274 = tpu.bitcast %shift_left3A_273 : vector<16xi32> -> vector<16xf32>
      %and3A_275 = arith.constant -65536 : i32
      %and3A_276 = vector.broadcast %and3A_275 : i32 to vector<16xi32>
      %and3A_277 = arith.andi %get3A_270, %and3A_276 : vector<16xi32>
      %bitcast_convert_type3A_278 = tpu.bitcast %and3A_277 : vector<16xi32> -> vector<16xf32>
      %get3A_279 = arith.index_cast %mul3A_98 : i32 to index
      %get3A_280 = arith.constant 64 : index
      %get3A_281 = tpu.vector_load %arg11[%get3A_279, %get3A_280] {strides = array<i32>} : memref<80x128xf32, #tpu.memory_space<vmem>>, vector<1x16xf32>,
      %get3A_282 = vector.shape_cast %get3A_281 : vector<1x16xf32> to vector<16xf32>
      %get3A_283 = arith.index_cast %mul3A_98 : i32 to index
      %get3A_284 = arith.constant 64 : index
      %get3A_285 = tpu.vector_load %arg13[%get3A_283, %get3A_284] {strides = array<i32>} : memref<80x128xf32, #tpu.memory_space<vmem>>, vector<1x16xf32>,
      %get3A_286 = vector.shape_cast %get3A_285 : vector<1x16xf32> to vector<16xf32>
      %add3A_287 = arith.addf %get3A_282, %get3A_286 : vector<16xf32>
      %mul3A_288 = arith.mulf %add3A_287, %bitcast_convert_type3A_274 : vector<16xf32>
      %swap3A_289 = arith.index_cast %mul3A_98 : i32 to index
      %swap3A_290 = arith.constant 64 : index
      %swap3A_291 = tpu.vector_load %arg17[%swap3A_289, %swap3A_290] {strides = array<i32>} : memref<80x128xf32, #tpu.memory_space<vmem>>, vector<1x16xf32>,
      %swap3A_292 = vector.shape_cast %swap3A_291 : vector<1x16xf32> to vector<16xf32>
      %swap3A_293 = vector.shape_cast %mul3A_288 : vector<16xf32> to vector<1x16xf32>
      tpu.vector_store %arg17[%swap3A_289, %swap3A_290], %swap3A_293 {strides = array<i32>} : memref<80x128xf32, #tpu.memory_space<vmem>>, vector<1x16xf32>,
      %get3A_294 = arith.index_cast %add3A_102 : i32 to index
      %get3A_295 = arith.constant 64 : index
      %get3A_296 = tpu.vector_load %arg11[%get3A_294, %get3A_295] {strides = array<i32>} : memref<80x128xf32, #tpu.memory_space<vmem>>, vector<1x16xf32>,
      %get3A_297 = vector.shape_cast %get3A_296 : vector<1x16xf32> to vector<16xf32>
      %get3A_298 = arith.index_cast %add3A_102 : i32 to index
      %get3A_299 = arith.constant 64 : index
      %get3A_300 = tpu.vector_load %arg13[%get3A_298, %get3A_299] {strides = array<i32>} : memref<80x128xf32, #tpu.memory_space<vmem>>, vector<1x16xf32>,
      %get3A_301 = vector.shape_cast %get3A_300 : vector<1x16xf32> to vector<16xf32>
      %add3A_302 = arith.addf %get3A_297, %get3A_301 : vector<16xf32>
      %mul3A_303 = arith.mulf %add3A_302, %bitcast_convert_type3A_278 : vector<16xf32>
      %swap3A_304 = arith.index_cast %add3A_102 : i32 to index
      %swap3A_305 = arith.constant 64 : index
      %swap3A_306 = tpu.vector_load %arg17[%swap3A_304, %swap3A_305] {strides = array<i32>} : memref<80x128xf32, #tpu.memory_space<vmem>>, vector<1x16xf32>,
      %swap3A_307 = vector.shape_cast %swap3A_306 : vector<1x16xf32> to vector<16xf32>
      %swap3A_308 = vector.shape_cast %mul3A_303 : vector<16xf32> to vector<1x16xf32>
      tpu.vector_store %arg17[%swap3A_304, %swap3A_305], %swap3A_308 {strides = array<i32>} : memref<80x128xf32, #tpu.memory_space<vmem>>, vector<1x16xf32>,
      %get3A_309 = arith.index_cast %scan3A_96 : i32 to index
      %get3A_310 = arith.constant 80 : index
      %get3A_311 = tpu.vector_load %arg15[%get3A_309, %get3A_310] {strides = array<i32>} : memref<40x128xi32, #tpu.memory_space<vmem>>, vector<1x16xi32>,
      %get3A_312 = vector.shape_cast %get3A_311 : vector<1x16xi32> to vector<16xi32>
      %shift_left3A_313 = arith.constant 16 : i32
      %shift_left3A_314 = vector.broadcast %shift_left3A_313 : i32 to vector<16xi32>
      %shift_left3A_315 = arith.shli %get3A_312, %shift_left3A_314 : vector<16xi32>
      %bitcast_convert_type3A_316 = tpu.bitcast %shift_left3A_315 : vector<16xi32> -> vector<16xf32>
      %and3A_317 = arith.constant -65536 : i32
      %and3A_318 = vector.broadcast %and3A_317 : i32 to vector<16xi32>
      %and3A_319 = arith.andi %get3A_312, %and3A_318 : vector<16xi32>
      %bitcast_convert_type3A_320 = tpu.bitcast %and3A_319 : vector<16xi32> -> vector<16xf32>
      %get3A_321 = arith.index_cast %mul3A_98 : i32 to index
      %get3A_322 = arith.constant 80 : index
      %get3A_323 = tpu.vector_load %arg11[%get3A_321, %get3A_322] {strides = array<i32>} : memref<80x128xf32, #tpu.memory_space<vmem>>, vector<1x16xf32>,
      %get3A_324 = vector.shape_cast %get3A_323 : vector<1x16xf32> to vector<16xf32>
      %get3A_325 = arith.index_cast %mul3A_98 : i32 to index
      %get3A_326 = arith.constant 80 : index
      %get3A_327 = tpu.vector_load %arg13[%get3A_325, %get3A_326] {strides = array<i32>} : memref<80x128xf32, #tpu.memory_space<vmem>>, vector<1x16xf32>,
      %get3A_328 = vector.shape_cast %get3A_327 : vector<1x16xf32> to vector<16xf32>
      %add3A_329 = arith.addf %get3A_324, %get3A_328 : vector<16xf32>
      %mul3A_330 = arith.mulf %add3A_329, %bitcast_convert_type3A_316 : vector<16xf32>
      %swap3A_331 = arith.index_cast %mul3A_98 : i32 to index
      %swap3A_332 = arith.constant 80 : index
      %swap3A_333 = tpu.vector_load %arg17[%swap3A_331, %swap3A_332] {strides = array<i32>} : memref<80x128xf32, #tpu.memory_space<vmem>>, vector<1x16xf32>,
      %swap3A_334 = vector.shape_cast %swap3A_333 : vector<1x16xf32> to vector<16xf32>
      %swap3A_335 = vector.shape_cast %mul3A_330 : vector<16xf32> to vector<1x16xf32>
      tpu.vector_store %arg17[%swap3A_331, %swap3A_332], %swap3A_335 {strides = array<i32>} : memref<80x128xf32, #tpu.memory_space<vmem>>, vector<1x16xf32>,
      %get3A_336 = arith.index_cast %add3A_102 : i32 to index
      %get3A_337 = arith.constant 80 : index
      %get3A_338 = tpu.vector_load %arg11[%get3A_336, %get3A_337] {strides = array<i32>} : memref<80x128xf32, #tpu.memory_space<vmem>>, vector<1x16xf32>,
      %get3A_339 = vector.shape_cast %get3A_338 : vector<1x16xf32> to vector<16xf32>
      %get3A_340 = arith.index_cast %add3A_102 : i32 to index
      %get3A_341 = arith.constant 80 : index
      %get3A_342 = tpu.vector_load %arg13[%get3A_340, %get3A_341] {strides = array<i32>} : memref<80x128xf32, #tpu.memory_space<vmem>>, vector<1x16xf32>,
      %get3A_343 = vector.shape_cast %get3A_342 : vector<1x16xf32> to vector<16xf32>
      %add3A_344 = arith.addf %get3A_339, %get3A_343 : vector<16xf32>
      %mul3A_345 = arith.mulf %add3A_344, %bitcast_convert_type3A_320 : vector<16xf32>
      %swap3A_346 = arith.index_cast %add3A_102 : i32 to index
      %swap3A_347 = arith.constant 80 : index
      %swap3A_348 = tpu.vector_load %arg17[%swap3A_346, %swap3A_347] {strides = array<i32>} : memref<80x128xf32, #tpu.memory_space<vmem>>, vector<1x16xf32>,
      %swap3A_349 = vector.shape_cast %swap3A_348 : vector<1x16xf32> to vector<16xf32>
      %swap3A_350 = vector.shape_cast %mul3A_345 : vector<16xf32> to vector<1x16xf32>
      tpu.vector_store %arg17[%swap3A_346, %swap3A_347], %swap3A_350 {strides = array<i32>} : memref<80x128xf32, #tpu.memory_space<vmem>>, vector<1x16xf32>,
      %get3A_351 = arith.index_cast %scan3A_96 : i32 to index
      %get3A_352 = arith.constant 96 : index
      %get3A_353 = tpu.vector_load %arg15[%get3A_351, %get3A_352] {strides = array<i32>} : memref<40x128xi32, #tpu.memory_space<vmem>>, vector<1x16xi32>,
      %get3A_354 = vector.shape_cast %get3A_353 : vector<1x16xi32> to vector<16xi32>
      %shift_left3A_355 = arith.constant 16 : i32
      %shift_left3A_356 = vector.broadcast %shift_left3A_355 : i32 to vector<16xi32>
      %shift_left3A_357 = arith.shli %get3A_354, %shift_left3A_356 : vector<16xi32>
      %bitcast_convert_type3A_358 = tpu.bitcast %shift_left3A_357 : vector<16xi32> -> vector<16xf32>
      %and3A_359 = arith.constant -65536 : i32
      %and3A_360 = vector.broadcast %and3A_359 : i32 to vector<16xi32>
      %and3A_361 = arith.andi %get3A_354, %and3A_360 : vector<16xi32>
      %bitcast_convert_type3A_362 = tpu.bitcast %and3A_361 : vector<16xi32> -> vector<16xf32>
      %get3A_363 = arith.index_cast %mul3A_98 : i32 to index
      %get3A_364 = arith.constant 96 : index
      %get3A_365 = tpu.vector_load %arg11[%get3A_363, %get3A_364] {strides = array<i32>} : memref<80x128xf32, #tpu.memory_space<vmem>>, vector<1x16xf32>,
      %get3A_366 = vector.shape_cast %get3A_365 : vector<1x16xf32> to vector<16xf32>
      %get3A_367 = arith.index_cast %mul3A_98 : i32 to index
      %get3A_368 = arith.constant 96 : index
      %get3A_369 = tpu.vector_load %arg13[%get3A_367, %get3A_368] {strides = array<i32>} : memref<80x128xf32, #tpu.memory_space<vmem>>, vector<1x16xf32>,
      %get3A_370 = vector.shape_cast %get3A_369 : vector<1x16xf32> to vector<16xf32>
      %add3A_371 = arith.addf %get3A_366, %get3A_370 : vector<16xf32>
      %mul3A_372 = arith.mulf %add3A_371, %bitcast_convert_type3A_358 : vector<16xf32>
      %swap3A_373 = arith.index_cast %mul3A_98 : i32 to index
      %swap3A_374 = arith.constant 96 : index
      %swap3A_375 = tpu.vector_load %arg17[%swap3A_373, %swap3A_374] {strides = array<i32>} : memref<80x128xf32, #tpu.memory_space<vmem>>, vector<1x16xf32>,
      %swap3A_376 = vector.shape_cast %swap3A_375 : vector<1x16xf32> to vector<16xf32>
      %swap3A_377 = vector.shape_cast %mul3A_372 : vector<16xf32> to vector<1x16xf32>
      tpu.vector_store %arg17[%swap3A_373, %swap3A_374], %swap3A_377 {strides = array<i32>} : memref<80x128xf32, #tpu.memory_space<vmem>>, vector<1x16xf32>,
      %get3A_378 = arith.index_cast %add3A_102 : i32 to index
      %get3A_379 = arith.constant 96 : index
      %get3A_380 = tpu.vector_load %arg11[%get3A_378, %get3A_379] {strides = array<i32>} : memref<80x128xf32, #tpu.memory_space<vmem>>, vector<1x16xf32>,
      %get3A_381 = vector.shape_cast %get3A_380 : vector<1x16xf32> to vector<16xf32>
      %get3A_382 = arith.index_cast %add3A_102 : i32 to index
      %get3A_383 = arith.constant 96 : index
      %get3A_384 = tpu.vector_load %arg13[%get3A_382, %get3A_383] {strides = array<i32>} : memref<80x128xf32, #tpu.memory_space<vmem>>, vector<1x16xf32>,
      %get3A_385 = vector.shape_cast %get3A_384 : vector<1x16xf32> to vector<16xf32>
      %add3A_386 = arith.addf %get3A_381, %get3A_385 : vector<16xf32>
      %mul3A_387 = arith.mulf %add3A_386, %bitcast_convert_type3A_362 : vector<16xf32>
      %swap3A_388 = arith.index_cast %add3A_102 : i32 to index
      %swap3A_389 = arith.constant 96 : index
      %swap3A_390 = tpu.vector_load %arg17[%swap3A_388, %swap3A_389] {strides = array<i32>} : memref<80x128xf32, #tpu.memory_space<vmem>>, vector<1x16xf32>,
      %swap3A_391 = vector.shape_cast %swap3A_390 : vector<1x16xf32> to vector<16xf32>
      %swap3A_392 = vector.shape_cast %mul3A_387 : vector<16xf32> to vector<1x16xf32>
      tpu.vector_store %arg17[%swap3A_388, %swap3A_389], %swap3A_392 {strides = array<i32>} : memref<80x128xf32, #tpu.memory_space<vmem>>, vector<1x16xf32>,
      %get3A_393 = arith.index_cast %scan3A_96 : i32 to index
      %get3A_394 = arith.constant 112 : index
      %get3A_395 = tpu.vector_load %arg15[%get3A_393, %get3A_394] {strides = array<i32>} : memref<40x128xi32, #tpu.memory_space<vmem>>, vector<1x16xi32>,
      %get3A_396 = vector.shape_cast %get3A_395 : vector<1x16xi32> to vector<16xi32>
      %shift_left3A_397 = arith.constant 16 : i32
      %shift_left3A_398 = vector.broadcast %shift_left3A_397 : i32 to vector<16xi32>
      %shift_left3A_399 = arith.shli %get3A_396, %shift_left3A_398 : vector<16xi32>
      %bitcast_convert_type3A_400 = tpu.bitcast %shift_left3A_399 : vector<16xi32> -> vector<16xf32>
      %and3A_401 = arith.constant -65536 : i32
      %and3A_402 = vector.broadcast %and3A_401 : i32 to vector<16xi32>
      %and3A_403 = arith.andi %get3A_396, %and3A_402 : vector<16xi32>
      %bitcast_convert_type3A_404 = tpu.bitcast %and3A_403 : vector<16xi32> -> vector<16xf32>
      %get3A_405 = arith.index_cast %mul3A_98 : i32 to index
      %get3A_406 = arith.constant 112 : index
      %get3A_407 = tpu.vector_load %arg11[%get3A_405, %get3A_406] {strides = array<i32>} : memref<80x128xf32, #tpu.memory_space<vmem>>, vector<1x16xf32>,
      %get3A_408 = vector.shape_cast %get3A_407 : vector<1x16xf32> to vector<16xf32>
      %get3A_409 = arith.index_cast %mul3A_98 : i32 to index
      %get3A_410 = arith.constant 112 : index
      %get3A_411 = tpu.vector_load %arg13[%get3A_409, %get3A_410] {strides = array<i32>} : memref<80x128xf32, #tpu.memory_space<vmem>>, vector<1x16xf32>,
      %get3A_412 = vector.shape_cast %get3A_411 : vector<1x16xf32> to vector<16xf32>
      %add3A_413 = arith.addf %get3A_408, %get3A_412 : vector<16xf32>
      %mul3A_414 = arith.mulf %add3A_413, %bitcast_convert_type3A_400 : vector<16xf32>
      %swap3A_415 = arith.index_cast %mul3A_98 : i32 to index
      %swap3A_416 = arith.constant 112 : index
      %swap3A_417 = tpu.vector_load %arg17[%swap3A_415, %swap3A_416] {strides = array<i32>} : memref<80x128xf32, #tpu.memory_space<vmem>>, vector<1x16xf32>,
      %swap3A_418 = vector.shape_cast %swap3A_417 : vector<1x16xf32> to vector<16xf32>
      %swap3A_419 = vector.shape_cast %mul3A_414 : vector<16xf32> to vector<1x16xf32>
      tpu.vector_store %arg17[%swap3A_415, %swap3A_416], %swap3A_419 {strides = array<i32>} : memref<80x128xf32, #tpu.memory_space<vmem>>, vector<1x16xf32>,
      %get3A_420 = arith.index_cast %add3A_102 : i32 to index
      %get3A_421 = arith.constant 112 : index
      %get3A_422 = tpu.vector_load %arg11[%get3A_420, %get3A_421] {strides = array<i32>} : memref<80x128xf32, #tpu.memory_space<vmem>>, vector<1x16xf32>,
      %get3A_423 = vector.shape_cast %get3A_422 : vector<1x16xf32> to vector<16xf32>
      %get3A_424 = arith.index_cast %add3A_102 : i32 to index
      %get3A_425 = arith.constant 112 : index
      %get3A_426 = tpu.vector_load %arg13[%get3A_424, %get3A_425] {strides = array<i32>} : memref<80x128xf32, #tpu.memory_space<vmem>>, vector<1x16xf32>,
      %get3A_427 = vector.shape_cast %get3A_426 : vector<1x16xf32> to vector<16xf32>
      %add3A_428 = arith.addf %get3A_423, %get3A_427 : vector<16xf32>
      %mul3A_429 = arith.mulf %add3A_428, %bitcast_convert_type3A_404 : vector<16xf32>
      %swap3A_430 = arith.index_cast %add3A_102 : i32 to index
      %swap3A_431 = arith.constant 112 : index
      %swap3A_432 = tpu.vector_load %arg17[%swap3A_430, %swap3A_431] {strides = array<i32>} : memref<80x128xf32, #tpu.memory_space<vmem>>, vector<1x16xf32>,
      %swap3A_433 = vector.shape_cast %swap3A_432 : vector<1x16xf32> to vector<16xf32>
      %swap3A_434 = vector.shape_cast %mul3A_429 : vector<16xf32> to vector<1x16xf32>
      tpu.vector_store %arg17[%swap3A_430, %swap3A_431], %swap3A_434 {strides = array<i32>} : memref<80x128xf32, #tpu.memory_space<vmem>>, vector<1x16xf32>,
    }
    %scan3A_77 = arith.constant 40 : i32
    %add3A_78 = arith.constant 9920 : i32
    %add3A_79 = arith.addi %mul3A_2, %add3A_78 : i32
    %dma_start3A_80 = arith.constant 0 : i32
    %dma_start3A_81 = tpu.memref_slice %arg6[%add3A_79, %dma_start3A_80] : memref<320000x128xf32, #tpu.memory_space<hbm>> -> memref<80x128xf32, #tpu.memory_space<hbm>>
    %dma_start3A_82 = arith.constant 0 : i32
    %dma_start3A_83 = tpu.memref_slice %arg6[%add3A_79, %dma_start3A_82] : memref<320000x128xf32, #tpu.memory_space<hbm>> -> memref<80x128xf32, #tpu.memory_space<hbm>>
    tpu.enqueue_dma source(%arg17 : memref<80x128xf32, #tpu.memory_space<vmem>>) target(%dma_start3A_83 : memref<80x128xf32, #tpu.memory_space<hbm>>) target_semaphore(%arg29 : memref<!tpu.dma_semaphore, #tpu.memory_space<semaphore_mem>>)
    %dma_wait3A_84 = arith.constant 0 : i32
    %dma_wait3A_85 = arith.constant 0 : i32
    %dma_wait3A_86 = tpu.memref_slice %arg6[%dma_wait3A_84, %dma_wait3A_85] : memref<320000x128xf32, #tpu.memory_space<hbm>> -> memref<80x128xf32, #tpu.memory_space<hbm>>
    %dma_wait3A_87 = arith.constant 0 : i32
    %dma_wait3A_88 = arith.constant 0 : i32
    %dma_wait3A_89 = tpu.memref_slice %arg6[%dma_wait3A_87, %dma_wait3A_88] : memref<320000x128xf32, #tpu.memory_space<hbm>> -> memref<80x128xf32, #tpu.memory_space<hbm>>
    tpu.wait_dma2 semaphore(%arg30 : memref<!tpu.dma_semaphore, #tpu.memory_space<semaphore_mem>>) src(%arg18 : memref<80x128xf32, #tpu.memory_space<vmem>>) dst(%dma_wait3A_89 : memref<80x128xf32, #tpu.memory_space<hbm>>)
    %dma_wait3A_90 = arith.constant 0 : i32
    %dma_wait3A_91 = arith.constant 0 : i32
    %dma_wait3A_92 = tpu.memref_slice %arg6[%dma_wait3A_90, %dma_wait3A_91] : memref<320000x128xf32, #tpu.memory_space<hbm>> -> memref<80x128xf32, #tpu.memory_space<hbm>>
    %dma_wait3A_93 = arith.constant 0 : i32
    %dma_wait3A_94 = arith.constant 0 : i32
    %dma_wait3A_95 = tpu.memref_slice %arg6[%dma_wait3A_93, %dma_wait3A_94] : memref<320000x128xf32, #tpu.memory_space<hbm>> -> memref<80x128xf32, #tpu.memory_space<hbm>>
    tpu.wait_dma2 semaphore(%arg29 : memref<!tpu.dma_semaphore, #tpu.memory_space<semaphore_mem>>) src(%arg17 : memref<80x128xf32, #tpu.memory_space<vmem>>) dst(%dma_wait3A_95 : memref<80x128xf32, #tpu.memory_space<hbm>>)
    return
  }
}

module attributes {stable_mosaic.version = 14 : i64} {
  func.func @body(%arg0: i32, %arg1: memref<16000x32xf32, #tpu.memory_space<vmem>>, %arg2: memref<32x128xf32, #tpu.memory_space<vmem>>, %arg3: memref<32x128xf32, #tpu.memory_space<vmem>>, %arg4: memref<1x128xf32, #tpu.memory_space<vmem>>, %arg5: memref<16000x128xi32, #tpu.memory_space<vmem>>) attributes {dimension_semantics = [#tpu.dimension_semantics<arbitrary>], iteration_bounds = array<i64: 10>, scalar_prefetch = 0 : i64, scratch_operands = 0 : i64, tpu.core_type = #tpu.core_type<tc>, window_params = [{transform_indices = @transform_0, window_bounds = array<i64: 16000, 32>}, {pipeline_mode = #tpu.pipeline_mode<synchronous>, transform_indices = @transform_1, window_bounds = array<i64: 32, 128>}, {pipeline_mode = #tpu.pipeline_mode<synchronous>, transform_indices = @transform_2, window_bounds = array<i64: 32, 128>}, {pipeline_mode = #tpu.pipeline_mode<synchronous>, transform_indices = @transform_3, window_bounds = array<i64: 1, 128>}, {transform_indices = @transform_4, window_bounds = array<i64: 16000, 128>}]} {
    %get3A = arith.constant 0 : index
    %get3A_0 = arith.constant 0 : index
    %get3A_1 = vector.load %arg1[%get3A, %get3A_0] : memref<16000x32xf32, #tpu.memory_space<vmem>>, vector<16000x32xf32>
    %get3A_2 = arith.constant 0 : index
    %get3A_3 = arith.constant 0 : index
    %get3A_4 = vector.load %arg2[%get3A_2, %get3A_3] : memref<32x128xf32, #tpu.memory_space<vmem>>, vector<32x128xf32>
    %dot_general3A = arith.constant dense<0.000000e+00> : vector<16000x128xf32>
    %dot_general3A_5 = tpu.matmul %get3A_1, %get3A_4, %dot_general3A {dimension_numbers = #tpu.dot_dimension_numbers<[1], [0], [0], [1], [0, 0, 1, 1], [], []>, transpose_lhs_hint = false} : vector<16000x32xf32>, vector<32x128xf32>, vector<16000x128xf32> -> vector<16000x128xf32>
    %get3A_6 = arith.constant 0 : index
    %get3A_7 = arith.constant 0 : index
    %get3A_8 = vector.load %arg4[%get3A_6, %get3A_7] : memref<1x128xf32, #tpu.memory_space<vmem>>, vector<1x128xf32>
    %add3A = vector.broadcast %get3A_8 : vector<1x128xf32> to vector<16000x128xf32>
    %add3A_9 = arith.addf %dot_general3A_5, %add3A : vector<16000x128xf32>
    %get3A_10 = arith.constant 0 : index
    %get3A_11 = arith.constant 0 : index
    %get3A_12 = vector.load %arg1[%get3A_10, %get3A_11] : memref<16000x32xf32, #tpu.memory_space<vmem>>, vector<16000x32xf32>
    %get3A_13 = arith.constant 0 : index
    %get3A_14 = arith.constant 0 : index
    %get3A_15 = vector.load %arg3[%get3A_13, %get3A_14] : memref<32x128xf32, #tpu.memory_space<vmem>>, vector<32x128xf32>
    %dot_general3A_16 = arith.constant dense<0.000000e+00> : vector<16000x128xf32>
    %dot_general3A_17 = tpu.matmul %get3A_12, %get3A_15, %dot_general3A_16 {dimension_numbers = #tpu.dot_dimension_numbers<[1], [0], [0], [1], [0, 0, 1, 1], [], []>, transpose_lhs_hint = false} : vector<16000x32xf32>, vector<32x128xf32>, vector<16000x128xf32> -> vector<16000x128xf32>
    %get3A_18 = arith.constant 0 : index
    %get3A_19 = arith.constant 0 : index
    %get3A_20 = vector.load %arg4[%get3A_18, %get3A_19] : memref<1x128xf32, #tpu.memory_space<vmem>>, vector<1x128xf32>
    %add3A_21 = vector.broadcast %get3A_20 : vector<1x128xf32> to vector<16000x128xf32>
    %add3A_22 = arith.addf %dot_general3A_17, %add3A_21 : vector<16000x128xf32>
    %bitcast_convert_type3A = tpu.bitcast %add3A_9 : vector<16000x128xf32> -> vector<16000x128xi32>
    %add3A_23 = arith.constant 32767 : i32
    %add3A_24 = vector.broadcast %add3A_23 : i32 to vector<16000x128xi32>
    %add3A_25 = arith.addi %bitcast_convert_type3A, %add3A_24 : vector<16000x128xi32>
    %shift_right_logical3A = arith.constant 16 : i32
    %shift_right_logical3A_26 = vector.broadcast %shift_right_logical3A : i32 to vector<16000x128xi32>
    %shift_right_logical3A_27 = arith.shrui %bitcast_convert_type3A, %shift_right_logical3A_26 : vector<16000x128xi32>
    %and3A = arith.constant 1 : i32
    %and3A_28 = vector.broadcast %and3A : i32 to vector<16000x128xi32>
    %and3A_29 = arith.andi %shift_right_logical3A_27, %and3A_28 : vector<16000x128xi32>
    %add3A_30 = arith.addi %add3A_25, %and3A_29 : vector<16000x128xi32>
    %shift_right_logical3A_31 = arith.constant 16 : i32
    %shift_right_logical3A_32 = vector.broadcast %shift_right_logical3A_31 : i32 to vector<16000x128xi32>
    %shift_right_logical3A_33 = arith.shrui %add3A_30, %shift_right_logical3A_32 : vector<16000x128xi32>
    %bitcast_convert_type3A_34 = tpu.bitcast %add3A_22 : vector<16000x128xf32> -> vector<16000x128xi32>
    %add3A_35 = arith.constant 32767 : i32
    %add3A_36 = vector.broadcast %add3A_35 : i32 to vector<16000x128xi32>
    %add3A_37 = arith.addi %bitcast_convert_type3A_34, %add3A_36 : vector<16000x128xi32>
    %shift_right_logical3A_38 = arith.constant 16 : i32
    %shift_right_logical3A_39 = vector.broadcast %shift_right_logical3A_38 : i32 to vector<16000x128xi32>
    %shift_right_logical3A_40 = arith.shrui %bitcast_convert_type3A_34, %shift_right_logical3A_39 : vector<16000x128xi32>
    %and3A_41 = arith.constant 1 : i32
    %and3A_42 = vector.broadcast %and3A_41 : i32 to vector<16000x128xi32>
    %and3A_43 = arith.andi %shift_right_logical3A_40, %and3A_42 : vector<16000x128xi32>
    %add3A_44 = arith.addi %add3A_37, %and3A_43 : vector<16000x128xi32>
    %and3A_45 = arith.constant -65536 : i32
    %and3A_46 = vector.broadcast %and3A_45 : i32 to vector<16000x128xi32>
    %and3A_47 = arith.andi %add3A_44, %and3A_46 : vector<16000x128xi32>
    %or3A = arith.ori %and3A_47, %shift_right_logical3A_33 : vector<16000x128xi32>
    %swap3A = arith.constant 0 : index
    %swap3A_48 = arith.constant 0 : index
    %swap3A_49 = vector.load %arg5[%swap3A, %swap3A_48] : memref<16000x128xi32, #tpu.memory_space<vmem>>, vector<16000x128xi32>
    tpu.vector_store %arg5[%swap3A, %swap3A_48], %or3A {strides = array<i32>} : memref<16000x128xi32, #tpu.memory_space<vmem>>, vector<16000x128xi32>,
    return
  }
  func.func @transform_0(%arg0: i32) -> (i32, i32) {
    %c0_i32 = arith.constant 0 : i32
    %c0_i32_0 = arith.constant 0 : i32
    return %arg0, %c0_i32 : i32, i32
  }
  func.func @transform_1(%arg0: i32) -> (i32, i32) {
    %c0_i32 = arith.constant 0 : i32
    %c0_i32_0 = arith.constant 0 : i32
    %c0_i32_1 = arith.constant 0 : i32
    return %c0_i32, %c0_i32_0 : i32, i32
  }
  func.func @transform_2(%arg0: i32) -> (i32, i32) {
    %c0_i32 = arith.constant 0 : i32
    %c0_i32_0 = arith.constant 0 : i32
    %c0_i32_1 = arith.constant 0 : i32
    return %c0_i32, %c0_i32_0 : i32, i32
  }
  func.func @transform_3(%arg0: i32) -> (i32, i32) {
    %c0_i32 = arith.constant 0 : i32
    %c0_i32_0 = arith.constant 0 : i32
    %c0_i32_1 = arith.constant 0 : i32
    return %c0_i32, %c0_i32_0 : i32, i32
  }
  func.func @transform_4(%arg0: i32) -> (i32, i32) {
    %c0_i32 = arith.constant 0 : i32
    %c0_i32_0 = arith.constant 0 : i32
    return %arg0, %c0_i32 : i32, i32
  }
}

</mosaic_0001>

<sc_bundles>
// kernel: kernel.4.cloned.1.call-start
scs
__scs_entry_jumppad:
0x0: {  	(pc) =	sbr.rel $0x88, $3  }
0x1: {  	(tag) =	ssettag $0x0;
	lr =	simm.s32 $0x1  }
0x2: {  	[smem:$0x3F9C] =	sst lr;
	_ =	strace $0xD0000000  }
0x3: {  	_ = 	snop  }
0x4: {  	_ = 	snop  }
0x5: {  	_ = 	snop  }
0x6: {  	_ = 	snop  }
0x7: {  	_ = 	snop  }
__scs_overlays_trampoline_lowered:
0x8: {  	[smem:$0x3FAB] =	sst s0  }
0x9: {  	[smem:$0x3FAC] =	sst s1  }
0xa: {  	[smem:$0x3FAD] =	sst s2  }
0xb: {  	[smem:$0x3FAE] =	sst s3  }
0xc: {  	[smem:$0x3FAF] =	sst s4  }
0xd: {  	[smem:$0x3FB0] =	sst s5  }
0xe: {  	[smem:$0x3FB1] =	sst s6  }
0xf: {  	[smem:$0x3FB2] =	sst s7  }
0x10: {  	[smem:$0x3FB3] =	sst s8  }
0x11: {  	[smem:$0x3FB4] =	sst s9;
	s0 =	simm.s32 @!p0 $0x0  }
0x12: {  	s1 =	sld [smem:$0x3F9A];
	s0 =	simm.s32 @p0 $0x1  }
0x13: {  	[smem:$0x3FB5] =	sst s0;
	s0 =	simm.s32 @!p1 $0x0  }
0x14: {  	s2 =	sld [smem:$0x3F99];
	s0 =	simm.s32 @p1 $0x1  }
0x15: {  	[smem:$0x3FB6] =	sst s0;
	s0 =	simm.s32 @!p2 $0x0  }
0x16: {  	s3 =	sld [smem:$0x3FDB];
	s0 =	simm.s32 @p2 $0x1  }
0x17: {  	s4 =	simm.s32 $0x1BF5;
	[smem:$0x3FB8] =	sst s0  }
0x18: {  	s0 =	sld [smem:$0x3F9B];
	_ =	swait.ge [sflag:s4], $0x0  }
0x19: {  	s7 =	sld [smem:$0x3F9C]  }
0x1a: {  	s8 =	sadd.s32 $0xFFFFE003, lr  }
0x1b: {  	s9 =	sadd.s32 $0xFFFFFEF7, lr;
	s5 =	simm.s32 $0xFFFFFFFF;
	p2 =	slt.u32 s8, $0xFFFFF086  }
0x1c: {  	p1 =	slt.u32 s9, $0xF7A;
	s5 =	simm.s32 @!p2 $0x0  }
0x1d: {  	s5 =	simm.s32 @p1 $0x1;
	p0 =	seq.s32 s7, s2  }
0x1e: {  	s7 =	smul.u32 @!p0 $0xF7A, s2;
	p2 =	seq.s32 @!p0 s5, $0x0  }
0x1f: {  	s9 =	smul.u32 $0xF7A, s1;
	s8 =	simm.s32 @!p0 $0x1BF5;
	p2 =	por !p2, p0  }
0x20: {  	[sflag:s8] =	ssyncset.s32 @!p0 $0xFFFFF086;
	s6 =	sadd.s32 @!p0 s3, s7;
	s7 =	simm.s32 @!p0 $0x108  }
0x21: {  	s3 =	sadd.s32 s3, s9;
	s6 =	sadd.s32 @!p0 $0x88, s6;
	s7 =	simm.s32 @p2 $0x1082  }
0x22: {  	[simem:s7], [sflag:s8] =	dma.local @!p0 [hbm:s6], $0xF7A  }
0x23: {  	s9 =	sor.u32 $0xD0000000, s2;
	s6 =	simm.s32 $0x108;
	_ =	swait.ge @!p0 [sflag:s8], $0x0  }
0x24: {  	s3 =	sadd.s32 $0x88, s3;
	s6 =	simm.s32 @!p1 $0x1082;
	[sflag:s4] =	ssyncset.s32 $0xFFFFF086  }
0x25: {  	[simem:s6], [sflag:s4] =	dma.local [hbm:s3], $0xF7A  }
0x26: {  	[smem:$0x3F9C] =	sst s1;
	(tag) =	ssettag s2;
	_ =	strace s9  }
0x27: {  	s1 =	sld [smem:$0x3FAC]  }
0x28: {  	s2 =	sld [smem:$0x3FAD]  }
0x29: {  	s4 =	sld [smem:$0x3FAF]  }
0x2a: {  	p0 =	seq.s32 s5, $0x0;
	s5 =	sld [smem:$0x3FB0]  }
0x2b: {  	s6 =	sld [smem:$0x3FB1]  }
0x2c: {  	s7 =	sld [smem:$0x3FB2]  }
0x2d: {  	s3 =	simm.s32 $0x108;
	s8 =	sld [smem:$0x3FB3]  }
0x2e: {  	s3 =	simm.s32 @!p0 $0x1082;
	s9 =	sld [smem:$0x3FB4]  }
0x2f: {  	lr =	sadd.s32 s0, s3;
	s0 =	sld [smem:$0x3FAB]  }
0x30: {  	s3 =	sld [smem:$0x3FAE]  }
0x31: {  	[smem:$0x3FB7] =	sst s10  }
0x32: {  	s10 =	sld [smem:$0x3FB5];
	_ =	sdelay $0x3  }
0x33: {  	p0 =	seq.s32 s10, $0x1;
	s10 =	sld [smem:$0x3FB7];
	_ =	sdelay $0x3  }
0x34: {  	[smem:$0x3FB7] =	sst s10  }
0x35: {  	s10 =	sld [smem:$0x3FB6];
	_ =	sdelay $0x3  }
0x36: {  	p1 =	seq.s32 s10, $0x1;
	s10 =	sld [smem:$0x3FB7];
	_ =	sdelay $0x3  }
0x37: {  	[smem:$0x3FB7] =	sst s10  }
0x38: {  	s10 =	sld [smem:$0x3FB8]  }
0x39: {  	_ = 	snop;
	(pc) =	sbr.ind lr, $3  }
0x3a: {  	_ = 	snop  }
0x3b: {  	_ = 	snop  }
0x3c: {  	p2 =	seq.s32 s10, $0x1;
	s10 =	sld [smem:$0x3FB7]  }
0x3d: {  	_ =	shalt  }
0x3e: {  	_ =	shalt  }
0x3f: {  	_ =	shalt  }
0x40: {  	_ =	shalt  }
0x41: {  	_ =	shalt  }
0x42: {  	_ =	shalt  }
0x43: {  	_ =	shalt  }
0x44: {  	_ =	shalt  }
0x45: {  	_ =	shalt  }
0x46: {  	_ =	shalt  }
0x47: {  	_ =	shalt  }
0x48: {  	_ =	shalt  }
0x49: {  	_ =	shalt  }
0x4a: {  	_ =	shalt  }
0x4b: {  	_ =	shalt  }
0x4c: {  	_ =	shalt  }
0x4d: {  	_ =	shalt  }
0x4e: {  	_ =	shalt  }
0x4f: {  	_ =	shalt  }
0x50: {  	_ =	shalt  }
0x51: {  	_ =	shalt  }
0x52: {  	_ =	shalt  }
0x53: {  	_ =	shalt  }
0x54: {  	_ =	shalt  }
0x55: {  	_ =	shalt  }
0x56: {  	_ =	shalt  }
0x57: {  	_ =	shalt  }
0x58: {  	_ =	shalt  }
0x59: {  	_ =	shalt  }
0x5a: {  	_ =	shalt  }
0x5b: {  	_ =	shalt  }
0x5c: {  	_ =	shalt  }
0x5d: {  	_ =	shalt  }
0x5e: {  	_ =	shalt  }
0x5f: {  	_ =	shalt  }
0x60: {  	_ =	shalt  }
0x61: {  	_ =	shalt  }
0x62: {  	_ =	shalt  }
0x63: {  	_ =	shalt  }
0x64: {  	_ =	shalt  }
0x65: {  	_ =	shalt  }
0x66: {  	_ =	shalt  }
0x67: {  	_ =	shalt  }
0x68: {  	_ =	shalt  }
0x69: {  	_ =	shalt  }
0x6a: {  	_ =	shalt  }
0x6b: {  	_ =	shalt  }
0x6c: {  	_ =	shalt  }
0x6d: {  	_ =	shalt  }
0x6e: {  	_ =	shalt  }
0x6f: {  	_ =	shalt  }
0x70: {  	_ =	shalt  }
0x71: {  	_ =	shalt  }
0x72: {  	_ =	shalt  }
0x73: {  	_ =	shalt  }
0x74: {  	_ =	shalt  }
0x75: {  	_ =	shalt  }
0x76: {  	_ =	shalt  }
0x77: {  	_ =	shalt  }
0x78: {  	_ =	shalt  }
0x79: {  	_ =	shalt  }
0x7a: {  	_ =	shalt  }
0x7b: {  	_ =	shalt  }
0x7c: {  	_ =	shalt  }
0x7d: {  	_ =	shalt  }
0x7e: {  	_ =	shalt  }
0x7f: {  	_ =	shalt  }
0x80: {  	_ =	shalt  }
0x81: {  	_ =	shalt  }
0x82: {  	_ =	shalt  }
0x83: {  	_ =	shalt  }
0x84: {  	_ =	shalt  }
0x85: {  	_ =	shalt  }
0x86: {  	_ =	shalt  }
0x87: {  	_ =	shalt  }
.Lfunc_end0:
.L_simem_size_0:
called_computation_lowered:
.L_overlay_start_0:
0x88: {  	s2 =	sld [smem:$0x3FD9]  }
0x89: {  	s3 =	sld [smem:$0x3FFE];
	_ =	sdelay $0x1  }
0x8a: {  	s1 =	srdreg.scid  }
0x8b: {  	s0 =	sand.u32 $0x1, s1  }
0x8c: {  	s17 =	sshll.u32 s0, $0xA;
	s2 =	sadd.s32 s3, s2  }
0x8d: {  	s2 =	sadd.s32 s2, s17  }
0x8e: {  	[smem:$0x3FC3] =	sst s2  }
0x8f: {  	_ = 	snop  }
0x90: {  	s2 =	sld [smem:$0x3FC7]  }
0x91: {  	s18 =	sld [smem:$0x3FD0];
	(tm) =	ssettm $0x1  }
0x92: {  	s4 =	sld [smem:$0x3FFB];
	_ =	sdelay $0x3  }
0x93: {  	_ =	strace s4  }
0x94: {  	s4 =	sld [smem:$0x3FFC];
	_ =	sdelay $0x3  }
0x95: {  	_ =	strace s4  }
0x96: {  	s4 =	sld [smem:$0x3FFD];
	_ =	sdelay $0x3  }
0x97: {  	_ =	strace s4  }
0x98: {  	_ =	strace $0x8FFFFFFF  }
0x99: {  	s19 =	sld [smem:$0x3FDB];
	_ =	sdelay $0x1  }
0x9a: {  	s5 =	simm.s32 $_scs_section_size  }
0x9b: {  	s6 =	simm.s32 $_size__tile_overlayer_lowered;
	s7 =	simm.s32 $_tile_overlayer_lowered  }
0x9c: {  	s22 =	simm.s32 $0x1BFF;
	s21 =	sshll.u32 s7, $0x1;
	s4 =	sadd.s32 s5, s19  }
0x9d: {  	s8 =	simm.s32 $0x0;
	s20 =	sshll.u32 s6, $0x1;
	s6 =	sadd.s32 s21, s4  }
0x9e: {  	[timem:s8], [sflag:s22] =	dma.local [hbm:s6], s20  }
0x9f: {  	_ =	swait.ge [sflag:s22], s20  }
0xa0: {  	s5 =	ssub.s32 $0x0, s20;
	[sflag:s22] =	ssyncset.done $0x0  }
0xa1: {  	[sflag:s22] =	ssyncadd.s32 s5;
	_ =	sdelay $0x1  }
0xa2: {  	s23 =	simm.s32 $0x1B8B  }
0xa3: {  	_ =	swait.ge [sflag:s23], $0x1  }
0xa4: {  	[sflag:s23] =	ssyncset.done $0x0  }
0xa5: {  	s25 =	simm.s32 $0x1B8E;
	s24 =	sld [smem:$0x3FFE];
	[sflag:s23] =	ssyncadd.s32 $0xFFFFFFFF  }
0xa6: {  	s26 =	simm.s32 $execute0_lowered;
	[smem:$0x3FD2] =	sst s25  }
0xa7: {  	s6 =	sshll.u32 s26, $0x1;
	_ =	strace $0x80000046;
	[dreg:$0x1] =	wrdreg $0xFFFFFFFF  }
0xa8: {  	s28 =	simm.s32 $_size_execute0_lowered;
	s4 =	sadd.s32 s4, s6;
	[dreg:$0x0] =	wrdreg $0x0  }
0xa9: {  	s6 =	sshll.u32 s28, $0x1;
	[dreg:$0x2] =	wrdreg s4  }
0xaa: {  	[dreg:$0x3] =	wrdreg s6  }
0xab: {  	[dreg:$0x4] =	wrdreg $0xC0  }
0xac: {  	_ =	task [dreg:s8], $0x5FFFF  }
0xad: {  	[dreg:$0x1] =	wrdreg $0xFFFFFFFF  }
0xae: {  	[dreg:$0x0] =	wrdreg $0x60  }
0xaf: {  	[dreg:$0x2] =	wrdreg s24  }
0xb0: {  	[dreg:$0x3] =	wrdreg s2  }
0xb1: {  	[dreg:$0x4] =	wrdreg s18  }
0xb2: {  	[dreg:$0x5] =	wrdreg $0x9  }
0xb3: {  	_ =	task.clear_ibuf [dreg:s8], $0x6FFFF;
	_ =	strace $0x90000046  }
0xb4: {  	s29 =	simm.s32 $0x9;
	_ =	strace $0x80000048  }
0xb5: {  	_ =	swait.ge [sflag:s29], $0x1  }
0xb6: {  	[sflag:s29] =	ssyncadd.s32 $0xFFFFFFFF  }
0xb7: {  	_ =	strace $0x90000048  }
0xb8: {  	_ =	sfence  }
0xb9: {  	s30 =	sld [smem:$0x0];
	_ =	sdelay $0x2  }
0xba: {  	s31 =	sshll.u32 s1, $0xD;
	s1 =	sshrl.u32 s1, $0x2  }
0xbb: {  	s3 =	sand.u32 $0x4000, s31;
	s1 =	sadd.s32 s1, s30  }
0xbc: {  	s0 =	sor.u32 s3, s0;
	s1 =	sshll.u32 s1, $0x11  }
0xbd: {  	s0 =	sor.u32 s1, s0  }
0xbe: {  	s0 =	sadd.s32 $0x8F2B, s0  }
0xbf: {  	[sflag:s0] =	ssyncadd.remote.s32 $0x1  }
0xc0: {  	_ =	sfence.sel $0xFFFF  }
0xc1: {  	[dreg:$0x0] =	wrdreg $0xFFFFFFFF;
	(pc) =	sbr.abs _section_cstart, $3  }
0xc2: {  	[dreg:$0x1] =	wrdreg $0xFFFFFFFF  }
0xc3: {  	_ =	task.clear_ibuf [dreg:s8], $0x2FFFF;
	_ =	strace $0x9FFFFFFF  }
0xc4: {  	(tm) =	ssettm $0x7FFFFFFF  }
0xc5: {  	_ =	shalt  }
tec
execute0_lowered:
.L_overlay_start_1:
0x0: {  	(tag) =	ssettag $0x1  }
0x1: {  	s0 =	rddreg [dreg:$0x0]  }
0x2: {  	s1 =	rddreg [dreg:$0x1]  }
0x3: {  	s26 =	rddreg [dreg:$0x2];
	s4 =	simm.s32 $0x0  }
0x4: {  	s2 =	srdreg.scid;
	s3 =	stileid.u32;
	s29 =	simm.s32 $0x5  }
0x5: {  	s30 =	simm.s32 $0x7;
	s31 =	simm.s32 $0x9;
	s14 =	simm.s32 $0x6  }
0x6: {  	s17 =	simm.s32 $0x8;
	s2 =	sand.u32 $0x1, s2;
	s5 =	sshll.u32 s3, $0x1  }
0x7: {  	s18 =	simm.s32 $0xA;
	s7 =	sadd.s32 $0x271200, s0;
	s9 =	sor.u32 s2, s5  }
0x8: {  	[smem:$0x7FF] =	sst s4;
	s8 =	sadd.s32 $0x284E00, s0;
	s19 =	smul.u32 $0x2710, s9  }
0x9: {  	_ =	strace $0x80000047;
	s2 =	ssub.s32 $0x2, s2;
	s11 =	smul.u32 $0x13880, s9  }
0xa: {  	s5 =	sadd.s32 $0x27B000, s0;
	s20 =	sshrl.u32 s2, $0x1;
	s9 =	smul.u32 $0x138800, s9  }
0xb: {  	s0 =	ssub.s32 s2, s20;
	s20 =	simm.s32 $0x1;
	s21 =	sshrl.u32 s19, $0x3  }
0xc: {  	s22 =	sadd.s32 $0x50, s19;
	s23 =	sadd.s32 s8, s11;
	s25 =	sshrl.u32 s9, $0x3  }
0xd: {  	s28 =	sadd.s32 $0xA0, s19;
	s10 =	smov.u32 s19;
	s16 =	sadd.s32 $0xF0, s19  }
0xe: {  	s0 =	smax.u32 s0, $0x1;
	s19 =	simm.s32 $0x100;
	[dreg:$0x6] =	wrdreg s23  }
0xf: {  	s11 =	simm.s32 $0xC;
	s6 =	sadd.s32 s5, s21;
	[dreg:$0x9] =	wrdreg s28  }
0x10: {  	s2 =	sadd.s32 s7, s21;
	s15 =	smov.u32 s22;
	[dreg:$0xb] =	wrdreg s0  }
0x11: {  	s24 =	sshrl.u32 s22, $0x3;
	s21 =	simm.s32 $0x3;
	[dreg:$0x4] =	wrdreg s6  }
0x12: {  	s22 =	simm.s32 $0x50;
	[dreg:$0x5] =	wrdreg s2;
	s2 =	sadd.s32 s7, s24  }
0x13: {  	s6 =	sadd.s32 s5, s24;
	[dreg:$0x8] =	wrdreg s2;
	s2 =	sadd.s32 s26, s25  }
0x14: {  	s0 =	simm.s32 $0x2;
	[dreg:$0x7] =	wrdreg s6;
	s2 =	sadd.s32 $0x26C00, s2  }
0x15: {  	s6 =	simm.s32 $0x0;
	[dreg:$0xa] =	wrdreg s2;
	s2 =	simm.s32 $0x4  }
.LBB2_1:
0x16: {  	[dreg:$0xc] =	wrdreg s6  }
0x17: {  	s3 =	rddreg [dreg:$0x4]  }
0x18: {  	[tilespmem:s4], [sflag:$0x1] =	stream.linear.gather [hbm4b:s3+s4], $0x50, $0x38;
	[tilespmem:$0x11A00] =	vst v63  }
0x19: {  	s28 =	rddreg [dreg:$0x5]  }
0x1a: {  	[tilespmem:s19], [sflag:$0x3] =	stream.linear.gather [hbm4b:s28+s4], $0x50, $0x38;
	[tilespmem:$0x11A00] =	vst v63  }
0x1b: {  	_ =	swait.ge [sflag:s20], $0x50  }
0x1c: {  	[sflag:s20] =	ssyncset.done $0x0  }
0x1d: {  	[sflag:s20] =	ssyncadd.s32 $0xFFFFFFB0  }
0x1e: {  	_ =	swait.ge [sflag:s21], $0x50  }
0x1f: {  	[sflag:s21] =	ssyncset.done $0x0  }
0x20: {  	s6 =	simm.s32 $0x200;
	[sflag:s21] =	ssyncadd.s32 $0xFFFFFFB0  }
0x21: {  	[tilespmem:s6], [sflag:$0x5] =	stream.indirect.gather [hbm4b:s1+s22], $0x80, s4, s22, $0xb8;
	[tilespmem:$0x11A00] =	vst v63  }
0x22: {  	s9 =	simm.s32 $0x5200  }
0x23: {  	[tilespmem:s9], [sflag:$0x7] =	stream.indirect.gather [hbm4b:s1+s22], $0x80, s19, s22, $0xb8;
	[tilespmem:$0x11A00] =	vst v63  }
0x24: {  	s13 =	simm.s32 $0xA200;
	s12 =	rddreg [dreg:$0x6]  }
0x25: {  	[tilespmem:s13], [sflag:$0x9] =	stream.linear.gather [hbm4b:s12+s4], $0x1400, $0x38;
	[tilespmem:$0x11A00] =	vst v63  }
0x26: {  	s24 =	simm.s32 $0x80;
	s23 =	rddreg [dreg:$0x7]  }
0x27: {  	[tilespmem:s24], [sflag:$0x2] =	stream.linear.gather [hbm4b:s23+s4], $0x50, $0x38;
	[tilespmem:$0x11A00] =	vst v63  }
0x28: {  	s28 =	simm.s32 $0x180;
	s25 =	rddreg [dreg:$0x8];
	s12 =	simm.s32 $0x0  }
0x29: {  	[tilespmem:s28], [sflag:$0x4] =	stream.linear.gather [hbm4b:s25+s4], $0x50, $0x38;
	[tilespmem:$0x11A00] =	vst v63  }
.LBB2_2:
0x2a: {  	_ =	swait.ge [sflag:s29], $0x2800  }
0x2b: {  	[sflag:s29] =	ssyncset.done $0x0  }
0x2c: {  	[sflag:s29] =	ssyncadd.s32 $0xFFFFD800  }
0x2d: {  	_ =	swait.ge [sflag:s30], $0x2800  }
0x2e: {  	[sflag:s30] =	ssyncset.done $0x0  }
0x2f: {  	[sflag:s30] =	ssyncadd.s32 $0xFFFFD800  }
0x30: {  	_ =	swait.ge [sflag:s31], $0x1400  }
0x31: {  	[sflag:s31] =	ssyncset.done $0x0  }
0x32: {  	[sflag:s31] =	ssyncadd.s32 $0xFFFFEC00  }
0x33: {  	_ =	swait.ge [sflag:s0], $0x50  }
0x34: {  	[sflag:s0] =	ssyncset.done $0x0  }
0x35: {  	[sflag:s0] =	ssyncadd.s32 $0xFFFFFFB0  }
0x36: {  	_ =	swait.ge [sflag:s2], $0x50  }
0x37: {  	s23 =	smul.u32 $0xA0, s12;
	[sflag:s2] =	ssyncset.done $0x0  }
0x38: {  	s3 =	simm.s32 $0x80;
	s9 =	simm.s32 $0x2A00;
	[sflag:s2] =	ssyncadd.s32 $0xFFFFFFB0  }
0x39: {  	[tilespmem:s9], [sflag:$0x6] =	stream.indirect.gather [hbm4b:s1+s22], $0x80, s3, s22, $0xb8;
	[tilespmem:$0x11A00] =	vst v63  }
0x3a: {  	s6 =	smov.u32 s26;
	s9 =	sadd.s32 s23, s15  }
0x3b: {  	s26 =	simm.s32 $0x180;
	s13 =	simm.s32 $0x7A00;
	s3 =	sshll.u32 s9, $0x3  }
0x3c: {  	[tilespmem:s13], [sflag:$0x8] =	stream.indirect.gather [hbm4b:s1+s22], $0x80, s26, s22, $0xb8;
	[tilespmem:$0x11A00] =	vst v63  }
0x3d: {  	s24 =	simm.s32 $0xB600;
	s25 =	rddreg [dreg:$0x9];
	s13 =	sadd.s32 s8, s3  }
0x3e: {  	[tilespmem:s24], [sflag:$0xA] =	stream.linear.gather [hbm4b:s13+s4], $0x1400, $0x38;
	[tilespmem:$0x11A00] =	vst v63  }
0x3f: {  	s24 =	sadd.s32 s23, s25  }
0x40: {  	s26 =	sshrl.u32 s24, $0x3  }
0x41: {  	s25 =	sadd.s32 s5, s26  }
0x42: {  	[tilespmem:s4], [sflag:$0x1] =	stream.linear.gather [hbm4b:s25+s4], $0x50, $0x38;
	[tilespmem:$0x11A00] =	vst v63  }
0x43: {  	p0 =	seq.s32 s12, $0x0;
	s13 =	sadd.s32 s7, s26  }
0x44: {  	[tilespmem:s19], [sflag:$0x3] =	stream.linear.gather [hbm4b:s13+s4], $0x50, $0x38;
	[tilespmem:$0x11A00] =	vst v63  }
0x45: {  	s13 =	simm.s32 @!p0 $0xB  }
0x46: {  	_ =	swait.ge @!p0 [sflag:s13], $0x2800  }
0x47: {  	[sflag:s13] =	ssyncset.done @!p0 $0x0  }
0x48: {  	s25 =	simm.s32 $0xF0;
	[sflag:s13] =	ssyncadd.s32 @!p0 $0xFFFFD800  }
0x49: {  	v0 =	vld [tilespmem:s25+$0x5190]  }
0x4a: {  	v1 =	vld [tilespmem:s25+$0x110]  }
0x4b: {  	v2 =	vld [tilespmem:s25+$0x5110]  }
0x4c: {  	s26 =	simm.s32 $0xA240;
	v3 =	vld [tilespmem:s25+$0x190]  }
0x4d: {  	v4 =	vld [tilespmem:s26+$0xFFFFFFC0];
	_ =	sdelay $0x3  }
0x4e: {  	v0 =	vadd.f32 v0, v3  }
0x4f: {  	v8 =	vand.u32 $0xFFFF0000, v4;
	v1 =	vadd.f32 v2, v1  }
0x50: {  	v5 =	vld [tilespmem:s25+$0x120];
	v4 =	vshll.u32 v4, $0x10;
	v0 =	vmul.f32 v8, v0  }
0x51: {  	v6 =	vld [tilespmem:s25+$0x5120];
	v1 =	vmul.f32 v4, v1  }
0x52: {  	v7 =	vld [tilespmem:s25+$0x1A0];
	[tilespmem:s25+$0xC990] =	vst v0  }
0x53: {  	v3 =	vld [tilespmem:s25+$0x51A0];
	[tilespmem:s25+$0xC910] =	vst v1  }
0x54: {  	v4 =	vld [tilespmem:s26+$0xFFFFFFD0];
	_ =	sdelay $0x3  }
0x55: {  	v5 =	vadd.f32 v6, v5  }
0x56: {  	v3 =	vadd.f32 v3, v7;
	v13 =	vshll.u32 v4, $0x10  }
0x57: {  	v9 =	vld [tilespmem:s25+$0x130];
	v4 =	vand.u32 $0xFFFF0000, v4;
	v5 =	vmul.f32 v13, v5  }
0x58: {  	v57 =	vld [tilespmem:s25+$0x1B0];
	v3 =	vmul.f32 v4, v3  }
0x59: {  	v2 =	vld [tilespmem:s25+$0x5130];
	[tilespmem:s25+$0xC920] =	vst v5  }
0x5a: {  	v0 =	vld [tilespmem:s25+$0x51B0];
	[tilespmem:s25+$0xC9A0] =	vst v3  }
0x5b: {  	v5 =	vld [tilespmem:s26+$0xFFFFFFE0];
	_ =	sdelay $0x3  }
0x5c: {  	v2 =	vadd.f32 v2, v9  }
0x5d: {  	v8 =	vadd.f32 v0, v57;
	v18 =	vshll.u32 v5, $0x10  }
0x5e: {  	v10 =	vld [tilespmem:s25+$0x5140];
	v5 =	vand.u32 $0xFFFF0000, v5;
	v2 =	vmul.f32 v18, v2  }
0x5f: {  	v11 =	vld [tilespmem:s25+$0x1C0];
	v5 =	vmul.f32 v5, v8  }
0x60: {  	v12 =	vld [tilespmem:s25+$0x51C0];
	[tilespmem:s25+$0xC930] =	vst v2  }
0x61: {  	v1 =	vld [tilespmem:s25+$0x140];
	[tilespmem:s25+$0xC9B0] =	vst v5  }
0x62: {  	v5 =	vld [tilespmem:s26+$0xFFFFFFF0];
	_ =	sdelay $0x3  }
0x63: {  	v1 =	vadd.f32 v10, v1  }
0x64: {  	v61 =	vadd.f32 v12, v11;
	v62 =	vshll.u32 v5, $0x10  }
0x65: {  	v14 =	vld [tilespmem:s25+$0x5150];
	v5 =	vand.u32 $0xFFFF0000, v5;
	v1 =	vmul.f32 v62, v1  }
0x66: {  	v58 =	vld [tilespmem:s25+$0x51D0];
	v5 =	vmul.f32 v5, v61  }
0x67: {  	v6 =	vld [tilespmem:s25+$0x150];
	[tilespmem:s25+$0xC940] =	vst v1  }
0x68: {  	v7 =	vld [tilespmem:s25+$0x1D0];
	[tilespmem:s25+$0xC9C0] =	vst v5  }
0x69: {  	v1 =	vld [tilespmem:s26+$0x0];
	_ =	sdelay $0x3  }
0x6a: {  	v5 =	vadd.f32 v14, v6  }
0x6b: {  	v6 =	vadd.f32 v58, v7;
	v7 =	vshll.u32 v1, $0x10  }
0x6c: {  	v15 =	vld [tilespmem:s25+$0x1E0];
	v1 =	vand.u32 $0xFFFF0000, v1;
	v5 =	vmul.f32 v7, v5  }
0x6d: {  	v16 =	vld [tilespmem:s25+$0x51E0];
	v1 =	vmul.f32 v1, v6  }
0x6e: {  	v4 =	vld [tilespmem:s25+$0x160];
	[tilespmem:s25+$0xC950] =	vst v5  }
0x6f: {  	v3 =	vld [tilespmem:s25+$0x5160];
	[tilespmem:s25+$0xC9D0] =	vst v1  }
0x70: {  	v1 =	vld [tilespmem:s26+$0x10];
	_ =	sdelay $0x3  }
0x71: {  	v17 =	vld [tilespmem:s25+$0x170];
	v3 =	vadd.f32 v3, v4  }
0x72: {  	v59 =	vld [tilespmem:s25+$0x5170];
	v4 =	vadd.f32 v16, v15;
	v5 =	vshll.u32 v1, $0x10  }
0x73: {  	v19 =	vld [tilespmem:s25+$0x1F0];
	v1 =	vand.u32 $0xFFFF0000, v1;
	v3 =	vmul.f32 v5, v3  }
0x74: {  	v60 =	vld [tilespmem:s25+$0x51F0];
	v1 =	vmul.f32 v1, v4  }
0x75: {  	v63 =	vld [tilespmem:s25+$0x5200];
	[tilespmem:s25+$0xC960] =	vst v3  }
0x76: {  	v2 =	vld [tilespmem:s25+$0x200];
	[tilespmem:s25+$0xC9E0] =	vst v1  }
0x77: {  	v1 =	vld [tilespmem:s26+$0x20];
	_ =	sdelay $0x3  }
0x78: {  	v0 =	vld [tilespmem:s25+$0x180];
	v5 =	vadd.f32 v60, v19;
	v3 =	vadd.f32 v59, v17  }
0x79: {  	v4 =	vshll.u32 v1, $0x10;
	v6 =	vand.u32 $0xFFFF0000, v1;
	v1 =	vadd.f32 v63, v2;
	v2 =	vld [tilespmem:s25+$0x5180]  }
0x7a: {  	s28 =	simm.s32 $0x7C0;
	s13 =	simm.s32 $0xA240;
	v4 =	vmul.f32 v4, v3;
	v3 =	vmul.f32 v6, v5  }
.LBB2_3:
0x7b: {  	p0 =	sne.s32 s28, $0x9FC0  }
0x7c: {  	s26 =	sadd.s32 $0x80, s26;
	s3 =	smov.u32 s28;
	s28 =	sadd.s32 $0x400, s28;
	[tilespmem:s25+$0xC970] =	vst v4  }
0x7d: {  	[tilespmem:s25+$0xC9F0] =	vst v3  }
0x7e: {  	v3 =	vld [tilespmem:s13+$0x30];
	v0 =	vadd.f32 v2, v0;
	s13 =	smov.u32 s26;
	_ =	sdelay $0x4  }
0x7f: {  	s3 =	sshra.s32 s3, $0x2;
	v2 =	vshll.u32 v3, $0x10;
	v3 =	vand.u32 $0xFFFF0000, v3  }
0x80: {  	v4 =	vld [tilespmem:s3+$0x5190];
	v0 =	vmul.f32 v2, v0;
	v1 =	vmul.f32 v3, v1  }
0x81: {  	v2 =	vld [tilespmem:s3+$0x110]  }
0x82: {  	v3 =	vld [tilespmem:s3+$0x5110];
	[tilespmem:s25+$0xC980] =	vst v0  }
0x83: {  	v0 =	vld [tilespmem:s3+$0x190];
	[tilespmem:s25+$0xCA00] =	vst v1;
	s25 =	smov.u32 s3  }
0x84: {  	v1 =	vld [tilespmem:s26+$0xFFFFFFC0]  }
0x85: {  	v5 =	vld [tilespmem:s25+$0x120]  }
0x86: {  	v6 =	vld [tilespmem:s25+$0x5120]  }
0x87: {  	v7 =	vld [tilespmem:s25+$0x1A0]  }
0x88: {  	v0 =	vadd.f32 v4, v0;
	v4 =	vld [tilespmem:s25+$0x51A0]  }
0x89: {  	v2 =	vadd.f32 v3, v2;
	v8 =	vand.u32 $0xFFFF0000, v1;
	v3 =	vld [tilespmem:s25+$0x130]  }
0x8a: {  	v1 =	vshll.u32 v1, $0x10;
	v0 =	vmul.f32 v8, v0;
	v8 =	vld [tilespmem:s25+$0x5130]  }
0x8b: {  	v1 =	vmul.f32 v1, v2;
	v2 =	vadd.f32 v6, v5;
	v5 =	vld [tilespmem:s25+$0x1B0]  }
0x8c: {  	[tilespmem:s25+$0xC990] =	vst v0;
	v0 =	vld [tilespmem:s25+$0x51B0]  }
0x8d: {  	[tilespmem:s25+$0xC910] =	vst v1;
	v1 =	vadd.f32 v4, v7;
	v4 =	vld [tilespmem:s25+$0x140]  }
0x8e: {  	v6 =	vld [tilespmem:s26+$0xFFFFFFD0]  }
0x8f: {  	v3 =	vadd.f32 v8, v3;
	v7 =	vld [tilespmem:s25+$0x5140]  }
0x90: {  	v8 =	vld [tilespmem:s25+$0x1C0]  }
0x91: {  	v0 =	vadd.f32 v0, v5;
	v5 =	vld [tilespmem:s25+$0x51C0]  }
0x92: {  	v9 =	vld [tilespmem:s25+$0x150]  }
0x93: {  	v10 =	vshll.u32 v6, $0x10;
	v6 =	vand.u32 $0xFFFF0000, v6;
	v11 =	vld [tilespmem:s25+$0x5150]  }
0x94: {  	v2 =	vmul.f32 v10, v2;
	v1 =	vmul.f32 v6, v1;
	v4 =	vadd.f32 v7, v4;
	v6 =	vld [tilespmem:s25+$0x1D0]  }
0x95: {  	v7 =	vld [tilespmem:s25+$0x51D0]  }
0x96: {  	[tilespmem:s25+$0xC920] =	vst v2;
	v2 =	vadd.f32 v5, v8;
	v5 =	vld [tilespmem:s25+$0x160]  }
0x97: {  	[tilespmem:s25+$0xC9A0] =	vst v1;
	v1 =	vld [tilespmem:s25+$0x5160]  }
0x98: {  	v8 =	vld [tilespmem:s26+$0xFFFFFFE0];
	v9 =	vadd.f32 v11, v9  }
0x99: {  	v10 =	vld [tilespmem:s25+$0x1E0]  }
0x9a: {  	v6 =	vadd.f32 v7, v6;
	v7 =	vld [tilespmem:s25+$0x51E0]  }
0x9b: {  	v11 =	vld [tilespmem:s25+$0x170]  }
0x9c: {  	v5 =	vadd.f32 v1, v5;
	v1 =	vld [tilespmem:s25+$0x5170]  }
0x9d: {  	v12 =	vshll.u32 v8, $0x10;
	v8 =	vand.u32 $0xFFFF0000, v8;
	v13 =	vld [tilespmem:s25+$0x1F0]  }
0x9e: {  	v3 =	vmul.f32 v12, v3;
	v8 =	vmul.f32 v8, v0;
	v12 =	vld [tilespmem:s25+$0x51F0]  }
0x9f: {  	v7 =	vadd.f32 v7, v10;
	v0 =	vld [tilespmem:s25+$0x180]  }
0xa0: {  	[tilespmem:s25+$0xC930] =	vst v3;
	v3 =	vld [tilespmem:s25+$0x200]  }
0xa1: {  	[tilespmem:s25+$0xC9B0] =	vst v8;
	v8 =	vadd.f32 v1, v11;
	v1 =	vld [tilespmem:s25+$0x5200]  }
0xa2: {  	v10 =	vld [tilespmem:s26+$0xFFFFFFF0]  }
0xa3: {  	v11 =	vadd.f32 v12, v13;
	_ =	sdelay $0x2  }
0xa4: {  	v1 =	vadd.f32 v1, v3  }
0xa5: {  	v3 =	vshll.u32 v10, $0x10;
	v10 =	vand.u32 $0xFFFF0000, v10  }
0xa6: {  	v3 =	vmul.f32 v3, v4;
	v2 =	vmul.f32 v10, v2;
	_ =	sdelay $0x1  }
0xa7: {  	[tilespmem:s25+$0xC940] =	vst v3  }
0xa8: {  	[tilespmem:s25+$0xC9C0] =	vst v2  }
0xa9: {  	v2 =	vld [tilespmem:s26+$0x0];
	_ =	sdelay $0x4  }
0xaa: {  	v3 =	vshll.u32 v2, $0x10;
	v2 =	vand.u32 $0xFFFF0000, v2  }
0xab: {  	v3 =	vmul.f32 v3, v9;
	v2 =	vmul.f32 v2, v6;
	_ =	sdelay $0x1  }
0xac: {  	[tilespmem:s25+$0xC950] =	vst v3  }
0xad: {  	[tilespmem:s25+$0xC9D0] =	vst v2  }
0xae: {  	v2 =	vld [tilespmem:s26+$0x10];
	_ =	sdelay $0x4  }
0xaf: {  	v3 =	vshll.u32 v2, $0x10;
	v2 =	vand.u32 $0xFFFF0000, v2  }
0xb0: {  	v3 =	vmul.f32 v3, v5;
	v2 =	vmul.f32 v2, v7;
	_ =	sdelay $0x1  }
0xb1: {  	[tilespmem:s25+$0xC960] =	vst v3  }
0xb2: {  	[tilespmem:s25+$0xC9E0] =	vst v2  }
0xb3: {  	v2 =	vld [tilespmem:s26+$0x20];
	_ =	sdelay $0x1  }
.Ltmp0:
0xb4: {  	(pc) =	sbr.rel @p0 .LBB2_3-.Ltmp0, $3  }
0xb5: {  	_ =	sdelay $0x1  }
0xb6: {  	v3 =	vshll.u32 v2, $0x10;
	v5 =	vand.u32 $0xFFFF0000, v2;
	v2 =	vld [tilespmem:s25+$0x5180]  }
0xb7: {  	v4 =	vmul.f32 v3, v8;
	v3 =	vmul.f32 v5, v11  }
0xb8: {  	_ = 	snop  }
0xb9: {  	[tilespmem:s25+$0xC970] =	vst v4  }
0xba: {  	[tilespmem:s25+$0xC9F0] =	vst v3  }
0xbb: {  	v3 =	vld [tilespmem:s13+$0x30];
	_ =	sdelay $0x3  }
0xbc: {  	v0 =	vadd.f32 v2, v0  }
0xbd: {  	v2 =	vshll.u32 v3, $0x10  }
0xbe: {  	v3 =	vand.u32 $0xFFFF0000, v3;
	v0 =	vmul.f32 v2, v0  }
0xbf: {  	s3 =	sadd.s32 s10, s23;
	v1 =	vmul.f32 v3, v1  }
0xc0: {  	s3 =	sshll.u32 s3, $0x4;
	[tilespmem:s25+$0xC980] =	vst v0  }
0xc1: {  	s28 =	simm.s32 $0xCA00;
	s3 =	sadd.s32 s6, s3;
	[tilespmem:s25+$0xCA00] =	vst v1  }
0xc2: {  	[hbm4b:s3+s4] =	stream.linear.scatter [tilespmem:s28], [sflag:$0xB], $0x2800, $0x38;
	[tilespmem:$0x11A00] =	vst v63  }
0xc3: {  	_ =	swait.ge [sflag:s14], $0x2800  }
0xc4: {  	[sflag:s14] =	ssyncset.done $0x0  }
0xc5: {  	[sflag:s14] =	ssyncadd.s32 $0xFFFFD800  }
0xc6: {  	_ =	swait.ge [sflag:s17], $0x2800  }
0xc7: {  	[sflag:s17] =	ssyncset.done $0x0  }
0xc8: {  	[sflag:s17] =	ssyncadd.s32 $0xFFFFD800  }
0xc9: {  	_ =	swait.ge [sflag:s18], $0x1400  }
0xca: {  	[sflag:s18] =	ssyncset.done $0x0  }
0xcb: {  	[sflag:s18] =	ssyncadd.s32 $0xFFFFEC00  }
0xcc: {  	_ =	swait.ge [sflag:s20], $0x50  }
0xcd: {  	[sflag:s20] =	ssyncset.done $0x0  }
0xce: {  	[sflag:s20] =	ssyncadd.s32 $0xFFFFFFB0  }
0xcf: {  	_ =	swait.ge [sflag:s21], $0x50  }
0xd0: {  	[sflag:s21] =	ssyncset.done $0x0  }
0xd1: {  	s26 =	smov.u32 s6;
	s6 =	simm.s32 $0x200;
	[sflag:s21] =	ssyncadd.s32 $0xFFFFFFB0  }
0xd2: {  	[tilespmem:s6], [sflag:$0x5] =	stream.indirect.gather [hbm4b:s1+s22], $0x80, s4, s22, $0xb8;
	[tilespmem:$0x11A00] =	vst v63  }
0xd3: {  	s13 =	simm.s32 $0x5200;
	s25 =	sshll.u32 s24, $0x3  }
0xd4: {  	[tilespmem:s13], [sflag:$0x7] =	stream.indirect.gather [hbm4b:s1+s22], $0x80, s19, s22, $0xb8;
	[tilespmem:$0x11A00] =	vst v63  }
0xd5: {  	p0 =	seq.s32 s12, $0x3D;
	s3 =	sadd.s32 s8, s25;
	s28 =	simm.s32 $0xA200  }
0xd6: {  	[tilespmem:s28], [sflag:$0x9] =	stream.linear.gather [hbm4b:s3+s4], $0x1400, $0x38;
	[tilespmem:$0x11A00] =	vst v63  }
0xd7: {  	s3 =	sadd.s32 @!p0 s23, s16  }
0xd8: {  	s3 =	sshrl.u32 @!p0 s3, $0x3  }
0xd9: {  	s24 =	simm.s32 @!p0 $0x80;
	s23 =	simm.s32 @!p0 $0x0;
	s13 =	sadd.s32 @!p0 s5, s3  }
0xda: {  	[tilespmem:s24], [sflag:$0x2] =	stream.linear.gather @!p0 [hbm4b:s13+s23], $0x50, $0x38;
	[tilespmem:$0x11A00] =	vst v63  }
0xdb: {  	p1 =	seq.s32 @!p0 s12, $0x0;
	s3 =	sadd.s32 @!p0 s7, s3;
	s13 =	simm.s32 @!p0 $0x180  }
0xdc: {  	[tilespmem:s13], [sflag:$0x4] =	stream.linear.gather @!p0 [hbm4b:s3+s23], $0x50, $0x38;
	[tilespmem:$0x11A00] =	vst v63  }
0xdd: {  	p0 =	por p0, !p1  }
0xde: {  	_ =	swait.ge @p0 [sflag:s11], $0x2800  }
0xdf: {  	[sflag:s11] =	ssyncset.done @p0 $0x0  }
0xe0: {  	s23 =	simm.s32 $0xF0;
	[sflag:s11] =	ssyncadd.s32 @p0 $0xFFFFD800  }
0xe1: {  	v0 =	vld [tilespmem:s23+$0x7990]  }
0xe2: {  	v1 =	vld [tilespmem:s23+$0x2910]  }
0xe3: {  	v2 =	vld [tilespmem:s23+$0x7910]  }
0xe4: {  	s24 =	simm.s32 $0xB640;
	v3 =	vld [tilespmem:s23+$0x2990]  }
0xe5: {  	v4 =	vld [tilespmem:s24+$0xFFFFFFC0];
	_ =	sdelay $0x3  }
0xe6: {  	v0 =	vadd.f32 v0, v3  }
0xe7: {  	v8 =	vand.u32 $0xFFFF0000, v4;
	v1 =	vadd.f32 v2, v1  }
0xe8: {  	v5 =	vld [tilespmem:s23+$0x2920];
	v4 =	vshll.u32 v4, $0x10;
	v0 =	vmul.f32 v8, v0  }
0xe9: {  	v6 =	vld [tilespmem:s23+$0x7920];
	v1 =	vmul.f32 v4, v1  }
0xea: {  	v7 =	vld [tilespmem:s23+$0x29A0];
	[tilespmem:s23+$0xF190] =	vst v0  }
0xeb: {  	v3 =	vld [tilespmem:s23+$0x79A0];
	[tilespmem:s23+$0xF110] =	vst v1  }
0xec: {  	v4 =	vld [tilespmem:s24+$0xFFFFFFD0];
	_ =	sdelay $0x3  }
0xed: {  	v5 =	vadd.f32 v6, v5  }
0xee: {  	v3 =	vadd.f32 v3, v7;
	v13 =	vshll.u32 v4, $0x10  }
0xef: {  	v9 =	vld [tilespmem:s23+$0x2930];
	v4 =	vand.u32 $0xFFFF0000, v4;
	v5 =	vmul.f32 v13, v5  }
0xf0: {  	v57 =	vld [tilespmem:s23+$0x29B0];
	v3 =	vmul.f32 v4, v3  }
0xf1: {  	v2 =	vld [tilespmem:s23+$0x7930];
	[tilespmem:s23+$0xF120] =	vst v5  }
0xf2: {  	v0 =	vld [tilespmem:s23+$0x79B0];
	[tilespmem:s23+$0xF1A0] =	vst v3  }
0xf3: {  	v5 =	vld [tilespmem:s24+$0xFFFFFFE0];
	_ =	sdelay $0x3  }
0xf4: {  	v2 =	vadd.f32 v2, v9  }
0xf5: {  	v8 =	vadd.f32 v0, v57;
	v18 =	vshll.u32 v5, $0x10  }
0xf6: {  	v10 =	vld [tilespmem:s23+$0x7940];
	v5 =	vand.u32 $0xFFFF0000, v5;
	v2 =	vmul.f32 v18, v2  }
0xf7: {  	v11 =	vld [tilespmem:s23+$0x29C0];
	v5 =	vmul.f32 v5, v8  }
0xf8: {  	v12 =	vld [tilespmem:s23+$0x79C0];
	[tilespmem:s23+$0xF130] =	vst v2  }
0xf9: {  	v1 =	vld [tilespmem:s23+$0x2940];
	[tilespmem:s23+$0xF1B0] =	vst v5  }
0xfa: {  	v5 =	vld [tilespmem:s24+$0xFFFFFFF0];
	_ =	sdelay $0x3  }
0xfb: {  	v1 =	vadd.f32 v10, v1  }
0xfc: {  	v61 =	vadd.f32 v12, v11;
	v62 =	vshll.u32 v5, $0x10  }
0xfd: {  	v14 =	vld [tilespmem:s23+$0x7950];
	v5 =	vand.u32 $0xFFFF0000, v5;
	v1 =	vmul.f32 v62, v1  }
0xfe: {  	v58 =	vld [tilespmem:s23+$0x79D0];
	v5 =	vmul.f32 v5, v61  }
0xff: {  	v6 =	vld [tilespmem:s23+$0x2950];
	[tilespmem:s23+$0xF140] =	vst v1  }
0x100: {  	v7 =	vld [tilespmem:s23+$0x29D0];
	[tilespmem:s23+$0xF1C0] =	vst v5  }
0x101: {  	v1 =	vld [tilespmem:s24+$0x0];
	_ =	sdelay $0x3  }
0x102: {  	v5 =	vadd.f32 v14, v6  }
0x103: {  	v6 =	vadd.f32 v58, v7;
	v7 =	vshll.u32 v1, $0x10  }
0x104: {  	v15 =	vld [tilespmem:s23+$0x29E0];
	v1 =	vand.u32 $0xFFFF0000, v1;
	v5 =	vmul.f32 v7, v5  }
0x105: {  	v16 =	vld [tilespmem:s23+$0x79E0];
	v1 =	vmul.f32 v1, v6  }
0x106: {  	v4 =	vld [tilespmem:s23+$0x2960];
	[tilespmem:s23+$0xF150] =	vst v5  }
0x107: {  	v3 =	vld [tilespmem:s23+$0x7960];
	[tilespmem:s23+$0xF1D0] =	vst v1  }
0x108: {  	v1 =	vld [tilespmem:s24+$0x10];
	_ =	sdelay $0x3  }
0x109: {  	v17 =	vld [tilespmem:s23+$0x2970];
	v3 =	vadd.f32 v3, v4  }
0x10a: {  	v59 =	vld [tilespmem:s23+$0x7970];
	v4 =	vadd.f32 v16, v15;
	v5 =	vshll.u32 v1, $0x10  }
0x10b: {  	v19 =	vld [tilespmem:s23+$0x29F0];
	v1 =	vand.u32 $0xFFFF0000, v1;
	v3 =	vmul.f32 v5, v3  }
0x10c: {  	v60 =	vld [tilespmem:s23+$0x79F0];
	v1 =	vmul.f32 v1, v4  }
0x10d: {  	v63 =	vld [tilespmem:s23+$0x7A00];
	[tilespmem:s23+$0xF160] =	vst v3  }
0x10e: {  	v2 =	vld [tilespmem:s23+$0x2A00];
	[tilespmem:s23+$0xF1E0] =	vst v1  }
0x10f: {  	v1 =	vld [tilespmem:s24+$0x20];
	_ =	sdelay $0x3  }
0x110: {  	v0 =	vld [tilespmem:s23+$0x2980];
	v5 =	vadd.f32 v60, v19;
	v3 =	vadd.f32 v59, v17  }
0x111: {  	v4 =	vshll.u32 v1, $0x10;
	v6 =	vand.u32 $0xFFFF0000, v1;
	v1 =	vadd.f32 v63, v2;
	v2 =	vld [tilespmem:s23+$0x7980]  }
0x112: {  	s25 =	simm.s32 $0x7C0;
	s13 =	simm.s32 $0xB640;
	v4 =	vmul.f32 v4, v3;
	v3 =	vmul.f32 v6, v5  }
.LBB2_5:
0x113: {  	p0 =	sne.s32 s25, $0x9FC0  }
0x114: {  	s24 =	sadd.s32 $0x80, s24;
	s3 =	smov.u32 s25;
	s25 =	sadd.s32 $0x400, s25;
	[tilespmem:s23+$0xF170] =	vst v4  }
0x115: {  	[tilespmem:s23+$0xF1F0] =	vst v3  }
0x116: {  	v3 =	vld [tilespmem:s13+$0x30];
	v0 =	vadd.f32 v2, v0;
	s13 =	smov.u32 s24;
	_ =	sdelay $0x4  }
0x117: {  	s3 =	sshra.s32 s3, $0x2;
	v2 =	vshll.u32 v3, $0x10;
	v3 =	vand.u32 $0xFFFF0000, v3  }
0x118: {  	v4 =	vld [tilespmem:s3+$0x7990];
	v0 =	vmul.f32 v2, v0;
	v1 =	vmul.f32 v3, v1  }
0x119: {  	v2 =	vld [tilespmem:s3+$0x2910]  }
0x11a: {  	v3 =	vld [tilespmem:s3+$0x7910];
	[tilespmem:s23+$0xF180] =	vst v0  }
0x11b: {  	v0 =	vld [tilespmem:s3+$0x2990];
	[tilespmem:s23+$0xF200] =	vst v1;
	s23 =	smov.u32 s3  }
0x11c: {  	v1 =	vld [tilespmem:s24+$0xFFFFFFC0]  }
0x11d: {  	v5 =	vld [tilespmem:s23+$0x2920]  }
0x11e: {  	v6 =	vld [tilespmem:s23+$0x7920]  }
0x11f: {  	v7 =	vld [tilespmem:s23+$0x29A0]  }
0x120: {  	v0 =	vadd.f32 v4, v0;
	v4 =	vld [tilespmem:s23+$0x79A0]  }
0x121: {  	v2 =	vadd.f32 v3, v2;
	v8 =	vand.u32 $0xFFFF0000, v1;
	v3 =	vld [tilespmem:s23+$0x2930]  }
0x122: {  	v1 =	vshll.u32 v1, $0x10;
	v0 =	vmul.f32 v8, v0;
	v8 =	vld [tilespmem:s23+$0x7930]  }
0x123: {  	v1 =	vmul.f32 v1, v2;
	v2 =	vadd.f32 v6, v5;
	v5 =	vld [tilespmem:s23+$0x29B0]  }
0x124: {  	[tilespmem:s23+$0xF190] =	vst v0;
	v0 =	vld [tilespmem:s23+$0x79B0]  }
0x125: {  	[tilespmem:s23+$0xF110] =	vst v1;
	v1 =	vadd.f32 v4, v7;
	v4 =	vld [tilespmem:s23+$0x2940]  }
0x126: {  	v6 =	vld [tilespmem:s24+$0xFFFFFFD0]  }
0x127: {  	v3 =	vadd.f32 v8, v3;
	v7 =	vld [tilespmem:s23+$0x7940]  }
0x128: {  	v8 =	vld [tilespmem:s23+$0x29C0]  }
0x129: {  	v0 =	vadd.f32 v0, v5;
	v5 =	vld [tilespmem:s23+$0x79C0]  }
0x12a: {  	v9 =	vld [tilespmem:s23+$0x2950]  }
0x12b: {  	v10 =	vshll.u32 v6, $0x10;
	v6 =	vand.u32 $0xFFFF0000, v6;
	v11 =	vld [tilespmem:s23+$0x7950]  }
0x12c: {  	v2 =	vmul.f32 v10, v2;
	v1 =	vmul.f32 v6, v1;
	v4 =	vadd.f32 v7, v4;
	v6 =	vld [tilespmem:s23+$0x29D0]  }
0x12d: {  	v7 =	vld [tilespmem:s23+$0x79D0]  }
0x12e: {  	[tilespmem:s23+$0xF120] =	vst v2;
	v2 =	vadd.f32 v5, v8;
	v5 =	vld [tilespmem:s23+$0x2960]  }
0x12f: {  	[tilespmem:s23+$0xF1A0] =	vst v1;
	v1 =	vld [tilespmem:s23+$0x7960]  }
0x130: {  	v8 =	vld [tilespmem:s24+$0xFFFFFFE0];
	v9 =	vadd.f32 v11, v9  }
0x131: {  	v10 =	vld [tilespmem:s23+$0x29E0]  }
0x132: {  	v6 =	vadd.f32 v7, v6;
	v7 =	vld [tilespmem:s23+$0x79E0]  }
0x133: {  	v11 =	vld [tilespmem:s23+$0x2970]  }
0x134: {  	v5 =	vadd.f32 v1, v5;
	v1 =	vld [tilespmem:s23+$0x7970]  }
0x135: {  	v12 =	vshll.u32 v8, $0x10;
	v8 =	vand.u32 $0xFFFF0000, v8;
	v13 =	vld [tilespmem:s23+$0x29F0]  }
0x136: {  	v3 =	vmul.f32 v12, v3;
	v8 =	vmul.f32 v8, v0;
	v12 =	vld [tilespmem:s23+$0x79F0]  }
0x137: {  	v7 =	vadd.f32 v7, v10;
	v0 =	vld [tilespmem:s23+$0x2980]  }
0x138: {  	[tilespmem:s23+$0xF130] =	vst v3;
	v3 =	vld [tilespmem:s23+$0x2A00]  }
0x139: {  	[tilespmem:s23+$0xF1B0] =	vst v8;
	v8 =	vadd.f32 v1, v11;
	v1 =	vld [tilespmem:s23+$0x7A00]  }
0x13a: {  	v10 =	vld [tilespmem:s24+$0xFFFFFFF0]  }
0x13b: {  	v11 =	vadd.f32 v12, v13;
	_ =	sdelay $0x2  }
0x13c: {  	v1 =	vadd.f32 v1, v3  }
0x13d: {  	v3 =	vshll.u32 v10, $0x10;
	v10 =	vand.u32 $0xFFFF0000, v10  }
0x13e: {  	v3 =	vmul.f32 v3, v4;
	v2 =	vmul.f32 v10, v2;
	_ =	sdelay $0x1  }
0x13f: {  	[tilespmem:s23+$0xF140] =	vst v3  }
0x140: {  	[tilespmem:s23+$0xF1C0] =	vst v2  }
0x141: {  	v2 =	vld [tilespmem:s24+$0x0];
	_ =	sdelay $0x4  }
0x142: {  	v3 =	vshll.u32 v2, $0x10;
	v2 =	vand.u32 $0xFFFF0000, v2  }
0x143: {  	v3 =	vmul.f32 v3, v9;
	v2 =	vmul.f32 v2, v6;
	_ =	sdelay $0x1  }
0x144: {  	[tilespmem:s23+$0xF150] =	vst v3  }
0x145: {  	[tilespmem:s23+$0xF1D0] =	vst v2  }
0x146: {  	v2 =	vld [tilespmem:s24+$0x10];
	_ =	sdelay $0x4  }
0x147: {  	v3 =	vshll.u32 v2, $0x10;
	v2 =	vand.u32 $0xFFFF0000, v2  }
0x148: {  	v3 =	vmul.f32 v3, v5;
	v2 =	vmul.f32 v2, v7;
	_ =	sdelay $0x1  }
0x149: {  	[tilespmem:s23+$0xF160] =	vst v3  }
0x14a: {  	[tilespmem:s23+$0xF1E0] =	vst v2  }
0x14b: {  	v2 =	vld [tilespmem:s24+$0x20];
	_ =	sdelay $0x1  }
.Ltmp1:
0x14c: {  	(pc) =	sbr.rel @p0 .LBB2_5-.Ltmp1, $3  }
0x14d: {  	_ =	sdelay $0x1  }
0x14e: {  	v3 =	vshll.u32 v2, $0x10;
	v5 =	vand.u32 $0xFFFF0000, v2;
	v2 =	vld [tilespmem:s23+$0x7980]  }
0x14f: {  	v4 =	vmul.f32 v3, v8;
	v3 =	vmul.f32 v5, v11  }
0x150: {  	_ = 	snop  }
0x151: {  	[tilespmem:s23+$0xF170] =	vst v4  }
0x152: {  	[tilespmem:s23+$0xF1F0] =	vst v3  }
0x153: {  	v3 =	vld [tilespmem:s13+$0x30];
	_ =	sdelay $0x3  }
0x154: {  	s12 =	sadd.s32 $0x1, s12;
	v0 =	vadd.f32 v2, v0  }
0x155: {  	p0 =	sne.s32 s12, $0x3E;
	v63 =	vshll.u32 v3, $0x10  }
.Ltmp2:
0x156: {  	v3 =	vand.u32 $0xFFFF0000, v3;
	v0 =	vmul.f32 v63, v0;
	(pc) =	sbr.rel @p0 .LBB2_2-.Ltmp2, $4  }
0x157: {  	v1 =	vmul.f32 v3, v1  }
0x158: {  	s3 =	sshll.u32 s9, $0x4;
	[tilespmem:s23+$0xF180] =	vst v0  }
0x159: {  	s6 =	simm.s32 $0xF200;
	s3 =	sadd.s32 s26, s3;
	[tilespmem:s23+$0xF200] =	vst v1  }
0x15a: {  	[hbm4b:s3+s4] =	stream.linear.scatter [tilespmem:s6], [sflag:$0xC], $0x2800, $0x38;
	[tilespmem:$0x11A00] =	vst v63  }
0x15b: {  	_ =	swait.ge [sflag:s29], $0x2800  }
0x15c: {  	[sflag:s29] =	ssyncset.done $0x0  }
0x15d: {  	[sflag:s29] =	ssyncadd.s32 $0xFFFFD800  }
0x15e: {  	_ =	swait.ge [sflag:s30], $0x2800  }
0x15f: {  	[sflag:s30] =	ssyncset.done $0x0  }
0x160: {  	[sflag:s30] =	ssyncadd.s32 $0xFFFFD800  }
0x161: {  	_ =	swait.ge [sflag:s31], $0x1400  }
0x162: {  	[sflag:s31] =	ssyncset.done $0x0  }
0x163: {  	s24 =	simm.s32 $0xB;
	[sflag:s31] =	ssyncadd.s32 $0xFFFFEC00  }
0x164: {  	_ =	swait.ge [sflag:s24], $0x2800  }
0x165: {  	[sflag:s24] =	ssyncset.done $0x0  }
0x166: {  	s9 =	simm.s32 $0xF0;
	[sflag:s24] =	ssyncadd.s32 $0xFFFFD800  }
0x167: {  	v0 =	vld [tilespmem:s9+$0x5190]  }
0x168: {  	v1 =	vld [tilespmem:s9+$0x110]  }
0x169: {  	v2 =	vld [tilespmem:s9+$0x5110]  }
0x16a: {  	s12 =	simm.s32 $0xA240;
	v3 =	vld [tilespmem:s9+$0x190]  }
0x16b: {  	v4 =	vld [tilespmem:s12+$0xFFFFFFC0];
	_ =	sdelay $0x3  }
0x16c: {  	v0 =	vadd.f32 v0, v3  }
0x16d: {  	v8 =	vand.u32 $0xFFFF0000, v4;
	v1 =	vadd.f32 v2, v1  }
0x16e: {  	v5 =	vld [tilespmem:s9+$0x120];
	v4 =	vshll.u32 v4, $0x10;
	v0 =	vmul.f32 v8, v0  }
0x16f: {  	v6 =	vld [tilespmem:s9+$0x5120];
	v1 =	vmul.f32 v4, v1  }
0x170: {  	v7 =	vld [tilespmem:s9+$0x1A0];
	[tilespmem:s9+$0xC990] =	vst v0  }
0x171: {  	v3 =	vld [tilespmem:s9+$0x51A0];
	[tilespmem:s9+$0xC910] =	vst v1  }
0x172: {  	v4 =	vld [tilespmem:s12+$0xFFFFFFD0];
	_ =	sdelay $0x3  }
0x173: {  	v5 =	vadd.f32 v6, v5  }
0x174: {  	v3 =	vadd.f32 v3, v7;
	v13 =	vshll.u32 v4, $0x10  }
0x175: {  	v9 =	vld [tilespmem:s9+$0x130];
	v4 =	vand.u32 $0xFFFF0000, v4;
	v5 =	vmul.f32 v13, v5  }
0x176: {  	v57 =	vld [tilespmem:s9+$0x1B0];
	v3 =	vmul.f32 v4, v3  }
0x177: {  	v2 =	vld [tilespmem:s9+$0x5130];
	[tilespmem:s9+$0xC920] =	vst v5  }
0x178: {  	v0 =	vld [tilespmem:s9+$0x51B0];
	[tilespmem:s9+$0xC9A0] =	vst v3  }
0x179: {  	v5 =	vld [tilespmem:s12+$0xFFFFFFE0];
	_ =	sdelay $0x3  }
0x17a: {  	v2 =	vadd.f32 v2, v9  }
0x17b: {  	v8 =	vadd.f32 v0, v57;
	v18 =	vshll.u32 v5, $0x10  }
0x17c: {  	v10 =	vld [tilespmem:s9+$0x5140];
	v5 =	vand.u32 $0xFFFF0000, v5;
	v2 =	vmul.f32 v18, v2  }
0x17d: {  	v11 =	vld [tilespmem:s9+$0x1C0];
	v5 =	vmul.f32 v5, v8  }
0x17e: {  	v12 =	vld [tilespmem:s9+$0x51C0];
	[tilespmem:s9+$0xC930] =	vst v2  }
0x17f: {  	v1 =	vld [tilespmem:s9+$0x140];
	[tilespmem:s9+$0xC9B0] =	vst v5  }
0x180: {  	v5 =	vld [tilespmem:s12+$0xFFFFFFF0];
	_ =	sdelay $0x3  }
0x181: {  	v1 =	vadd.f32 v10, v1  }
0x182: {  	v61 =	vadd.f32 v12, v11;
	v62 =	vshll.u32 v5, $0x10  }
0x183: {  	v14 =	vld [tilespmem:s9+$0x5150];
	v5 =	vand.u32 $0xFFFF0000, v5;
	v1 =	vmul.f32 v62, v1  }
0x184: {  	v58 =	vld [tilespmem:s9+$0x51D0];
	v5 =	vmul.f32 v5, v61  }
0x185: {  	v6 =	vld [tilespmem:s9+$0x150];
	[tilespmem:s9+$0xC940] =	vst v1  }
0x186: {  	v7 =	vld [tilespmem:s9+$0x1D0];
	[tilespmem:s9+$0xC9C0] =	vst v5  }
0x187: {  	v1 =	vld [tilespmem:s12+$0x0];
	_ =	sdelay $0x3  }
0x188: {  	v5 =	vadd.f32 v14, v6  }
0x189: {  	v6 =	vadd.f32 v58, v7;
	v7 =	vshll.u32 v1, $0x10  }
0x18a: {  	v15 =	vld [tilespmem:s9+$0x1E0];
	v1 =	vand.u32 $0xFFFF0000, v1;
	v5 =	vmul.f32 v7, v5  }
0x18b: {  	v16 =	vld [tilespmem:s9+$0x51E0];
	v1 =	vmul.f32 v1, v6  }
0x18c: {  	v4 =	vld [tilespmem:s9+$0x160];
	[tilespmem:s9+$0xC950] =	vst v5  }
0x18d: {  	v3 =	vld [tilespmem:s9+$0x5160];
	[tilespmem:s9+$0xC9D0] =	vst v1  }
0x18e: {  	v1 =	vld [tilespmem:s12+$0x10];
	_ =	sdelay $0x3  }
0x18f: {  	v17 =	vld [tilespmem:s9+$0x170];
	v3 =	vadd.f32 v3, v4  }
0x190: {  	v59 =	vld [tilespmem:s9+$0x5170];
	v4 =	vadd.f32 v16, v15;
	v5 =	vshll.u32 v1, $0x10  }
0x191: {  	v19 =	vld [tilespmem:s9+$0x1F0];
	v1 =	vand.u32 $0xFFFF0000, v1;
	v3 =	vmul.f32 v5, v3  }
0x192: {  	v60 =	vld [tilespmem:s9+$0x51F0];
	v1 =	vmul.f32 v1, v4  }
0x193: {  	v63 =	vld [tilespmem:s9+$0x5200];
	[tilespmem:s9+$0xC960] =	vst v3  }
0x194: {  	v2 =	vld [tilespmem:s9+$0x200];
	[tilespmem:s9+$0xC9E0] =	vst v1  }
0x195: {  	v1 =	vld [tilespmem:s12+$0x20];
	_ =	sdelay $0x3  }
0x196: {  	v0 =	vld [tilespmem:s9+$0x180];
	v5 =	vadd.f32 v60, v19;
	v3 =	vadd.f32 v59, v17  }
0x197: {  	v4 =	vshll.u32 v1, $0x10;
	v6 =	vand.u32 $0xFFFF0000, v1;
	v1 =	vadd.f32 v63, v2;
	v2 =	vld [tilespmem:s9+$0x5180]  }
0x198: {  	s23 =	simm.s32 $0x7C0;
	s13 =	simm.s32 $0xA240;
	v4 =	vmul.f32 v4, v3;
	v3 =	vmul.f32 v6, v5  }
.LBB2_8:
0x199: {  	p0 =	sne.s32 s23, $0x9FC0  }
0x19a: {  	s12 =	sadd.s32 $0x80, s12;
	s3 =	smov.u32 s23;
	s23 =	sadd.s32 $0x400, s23;
	[tilespmem:s9+$0xC970] =	vst v4  }
0x19b: {  	[tilespmem:s9+$0xC9F0] =	vst v3  }
0x19c: {  	v3 =	vld [tilespmem:s13+$0x30];
	v0 =	vadd.f32 v2, v0;
	s13 =	smov.u32 s12;
	_ =	sdelay $0x4  }
0x19d: {  	s3 =	sshra.s32 s3, $0x2;
	v2 =	vshll.u32 v3, $0x10;
	v3 =	vand.u32 $0xFFFF0000, v3  }
0x19e: {  	v4 =	vld [tilespmem:s3+$0x5190];
	v0 =	vmul.f32 v2, v0;
	v1 =	vmul.f32 v3, v1  }
0x19f: {  	v2 =	vld [tilespmem:s3+$0x110]  }
0x1a0: {  	v3 =	vld [tilespmem:s3+$0x5110];
	[tilespmem:s9+$0xC980] =	vst v0  }
0x1a1: {  	v0 =	vld [tilespmem:s3+$0x190];
	[tilespmem:s9+$0xCA00] =	vst v1;
	s9 =	smov.u32 s3  }
0x1a2: {  	v1 =	vld [tilespmem:s12+$0xFFFFFFC0]  }
0x1a3: {  	v5 =	vld [tilespmem:s9+$0x120]  }
0x1a4: {  	v6 =	vld [tilespmem:s9+$0x5120]  }
0x1a5: {  	v7 =	vld [tilespmem:s9+$0x1A0]  }
0x1a6: {  	v0 =	vadd.f32 v4, v0;
	v4 =	vld [tilespmem:s9+$0x51A0]  }
0x1a7: {  	v2 =	vadd.f32 v3, v2;
	v8 =	vand.u32 $0xFFFF0000, v1;
	v3 =	vld [tilespmem:s9+$0x130]  }
0x1a8: {  	v1 =	vshll.u32 v1, $0x10;
	v0 =	vmul.f32 v8, v0;
	v8 =	vld [tilespmem:s9+$0x5130]  }
0x1a9: {  	v1 =	vmul.f32 v1, v2;
	v2 =	vadd.f32 v6, v5;
	v5 =	vld [tilespmem:s9+$0x1B0]  }
0x1aa: {  	[tilespmem:s9+$0xC990] =	vst v0;
	v0 =	vld [tilespmem:s9+$0x51B0]  }
0x1ab: {  	[tilespmem:s9+$0xC910] =	vst v1;
	v1 =	vadd.f32 v4, v7;
	v4 =	vld [tilespmem:s9+$0x140]  }
0x1ac: {  	v6 =	vld [tilespmem:s12+$0xFFFFFFD0]  }
0x1ad: {  	v3 =	vadd.f32 v8, v3;
	v7 =	vld [tilespmem:s9+$0x5140]  }
0x1ae: {  	v8 =	vld [tilespmem:s9+$0x1C0]  }
0x1af: {  	v0 =	vadd.f32 v0, v5;
	v5 =	vld [tilespmem:s9+$0x51C0]  }
0x1b0: {  	v9 =	vld [tilespmem:s9+$0x150]  }
0x1b1: {  	v10 =	vshll.u32 v6, $0x10;
	v6 =	vand.u32 $0xFFFF0000, v6;
	v11 =	vld [tilespmem:s9+$0x5150]  }
0x1b2: {  	v2 =	vmul.f32 v10, v2;
	v1 =	vmul.f32 v6, v1;
	v4 =	vadd.f32 v7, v4;
	v6 =	vld [tilespmem:s9+$0x1D0]  }
0x1b3: {  	v7 =	vld [tilespmem:s9+$0x51D0]  }
0x1b4: {  	[tilespmem:s9+$0xC920] =	vst v2;
	v2 =	vadd.f32 v5, v8;
	v5 =	vld [tilespmem:s9+$0x160]  }
0x1b5: {  	[tilespmem:s9+$0xC9A0] =	vst v1;
	v1 =	vld [tilespmem:s9+$0x5160]  }
0x1b6: {  	v8 =	vld [tilespmem:s12+$0xFFFFFFE0];
	v9 =	vadd.f32 v11, v9  }
0x1b7: {  	v10 =	vld [tilespmem:s9+$0x1E0]  }
0x1b8: {  	v6 =	vadd.f32 v7, v6;
	v7 =	vld [tilespmem:s9+$0x51E0]  }
0x1b9: {  	v11 =	vld [tilespmem:s9+$0x170]  }
0x1ba: {  	v5 =	vadd.f32 v1, v5;
	v1 =	vld [tilespmem:s9+$0x5170]  }
0x1bb: {  	v12 =	vshll.u32 v8, $0x10;
	v8 =	vand.u32 $0xFFFF0000, v8;
	v13 =	vld [tilespmem:s9+$0x1F0]  }
0x1bc: {  	v3 =	vmul.f32 v12, v3;
	v8 =	vmul.f32 v8, v0;
	v12 =	vld [tilespmem:s9+$0x51F0]  }
0x1bd: {  	v7 =	vadd.f32 v7, v10;
	v0 =	vld [tilespmem:s9+$0x180]  }
0x1be: {  	[tilespmem:s9+$0xC930] =	vst v3;
	v3 =	vld [tilespmem:s9+$0x200]  }
0x1bf: {  	[tilespmem:s9+$0xC9B0] =	vst v8;
	v8 =	vadd.f32 v1, v11;
	v1 =	vld [tilespmem:s9+$0x5200]  }
0x1c0: {  	v10 =	vld [tilespmem:s12+$0xFFFFFFF0]  }
0x1c1: {  	v11 =	vadd.f32 v12, v13;
	_ =	sdelay $0x2  }
0x1c2: {  	v1 =	vadd.f32 v1, v3  }
0x1c3: {  	v3 =	vshll.u32 v10, $0x10;
	v10 =	vand.u32 $0xFFFF0000, v10  }
0x1c4: {  	v3 =	vmul.f32 v3, v4;
	v2 =	vmul.f32 v10, v2;
	_ =	sdelay $0x1  }
0x1c5: {  	[tilespmem:s9+$0xC940] =	vst v3  }
0x1c6: {  	[tilespmem:s9+$0xC9C0] =	vst v2  }
0x1c7: {  	v2 =	vld [tilespmem:s12+$0x0];
	_ =	sdelay $0x4  }
0x1c8: {  	v3 =	vshll.u32 v2, $0x10;
	v2 =	vand.u32 $0xFFFF0000, v2  }
0x1c9: {  	v3 =	vmul.f32 v3, v9;
	v2 =	vmul.f32 v2, v6;
	_ =	sdelay $0x1  }
0x1ca: {  	[tilespmem:s9+$0xC950] =	vst v3  }
0x1cb: {  	[tilespmem:s9+$0xC9D0] =	vst v2  }
0x1cc: {  	v2 =	vld [tilespmem:s12+$0x10];
	_ =	sdelay $0x4  }
0x1cd: {  	v3 =	vshll.u32 v2, $0x10;
	v2 =	vand.u32 $0xFFFF0000, v2  }
0x1ce: {  	v3 =	vmul.f32 v3, v5;
	v2 =	vmul.f32 v2, v7;
	_ =	sdelay $0x1  }
0x1cf: {  	[tilespmem:s9+$0xC960] =	vst v3  }
0x1d0: {  	[tilespmem:s9+$0xC9E0] =	vst v2  }
0x1d1: {  	v2 =	vld [tilespmem:s12+$0x20];
	_ =	sdelay $0x1  }
.Ltmp3:
0x1d2: {  	(pc) =	sbr.rel @p0 .LBB2_8-.Ltmp3, $3  }
0x1d3: {  	_ =	sdelay $0x1  }
0x1d4: {  	v3 =	vshll.u32 v2, $0x10;
	v5 =	vand.u32 $0xFFFF0000, v2;
	v2 =	vld [tilespmem:s9+$0x5180]  }
0x1d5: {  	v4 =	vmul.f32 v3, v8;
	v3 =	vmul.f32 v5, v11  }
0x1d6: {  	_ = 	snop  }
0x1d7: {  	[tilespmem:s9+$0xC970] =	vst v4  }
0x1d8: {  	[tilespmem:s9+$0xC9F0] =	vst v3  }
0x1d9: {  	v3 =	vld [tilespmem:s13+$0x30];
	_ =	sdelay $0x3  }
0x1da: {  	v0 =	vadd.f32 v2, v0  }
0x1db: {  	v63 =	vshll.u32 v3, $0x10  }
0x1dc: {  	v3 =	vand.u32 $0xFFFF0000, v3;
	v0 =	vmul.f32 v63, v0  }
0x1dd: {  	v1 =	vmul.f32 v3, v1  }
0x1de: {  	[tilespmem:s9+$0xC980] =	vst v0  }
0x1df: {  	s3 =	rddreg [dreg:$0xa];
	s6 =	simm.s32 $0xCA00;
	[tilespmem:s9+$0xCA00] =	vst v1  }
0x1e0: {  	[hbm4b:s3+s4] =	stream.linear.scatter [tilespmem:s6], [sflag:$0xB], $0x2800, $0x38;
	[tilespmem:$0x11A00] =	vst v63  }
0x1e1: {  	_ =	swait.ge [sflag:s11], $0x2800  }
0x1e2: {  	[sflag:s11] =	ssyncset.done $0x0  }
0x1e3: {  	[sflag:s11] =	ssyncadd.s32 $0xFFFFD800  }
0x1e4: {  	_ =	swait.ge [sflag:s24], $0x2800  }
0x1e5: {  	s25 =	rddreg [dreg:$0xc]  }
0x1e6: {  	s28 =	rddreg [dreg:$0xb];
	s6 =	sadd.s32 $0x1, s25  }
0x1e7: {  	p0 =	sne.s32 s6, s28  }
.Ltmp4:
0x1e8: {  	_ = 	snop;
	(pc) =	sbr.rel @p0 .LBB2_1-.Ltmp4, $3  }
0x1e9: {  	_ =	sdelay $0x1  }
0x1ea: {  	[sflag:s24] =	ssyncset.done $0x0  }
0x1eb: {  	[sflag:s24] =	ssyncadd.s32 $0xFFFFD800  }
0x1ec: {  	_ =	sfence.sel $0x180000  }
0x1ed: {  	[bflag:$0x0] =	sbarrier.arrive $0xFFFF  }
0x1ee: {  	_ =	strace $0x90000047  }
0x1ef: {  	s0 =	stileid.u32;
	[bflag:$0x2] =	sbarrier.arrive $0xFFFF  }
0x1f0: {  	p0 =	sne.s32 s0, $0x0;
	s0 =	rddreg [dreg:$0x3]  }
0x1f1: {  	s0 =	sadd.s32 @!p0 $0x100000, s0  }
0x1f2: {  	[sflag:s0] =	ssyncadd.tile.s32 @!p0 $0x1;
	_ =	shalt  }
.Lfunc_end2:
_tile_overlayer_lowered:
.L_overlay_start_2:
0x1f3: {  	(tag) =	ssettag $0x2  }
0x1f4: {  	s0 =	rddreg [dreg:$0x0];
	s2 =	stileid.u32  }
0x1f5: {  	s1 =	rddreg [dreg:$0x1];
	p0 =	sne.s32 s2, $0x0  }
0x1f6: {  	s3 =	rddreg [dreg:$0x2];
	[bflag:$0x3] =	sbarrier.arrive $0xFFFF;
	s2 =	simm.s32 @!p0 $0x1C0D  }
0x1f7: {  	[timem:s3], [sflag:s2] =	dma.local @!p0 [hbm:s0], s1  }
0x1f8: {  	s0 =	simm.s32 @!p0 $0xD  }
0x1f9: {  	_ =	swait.ge @!p0 [sflag:s0], s1  }
0x1fa: {  	s1 =	ssub.s32 @!p0 $0x0, s1;
	[sflag:s0] =	ssyncset.done @!p0 $0x0  }
0x1fb: {  	[sflag:s0] =	ssyncadd.s32 @!p0 s1  }
0x1fc: {  	[bflag:$0x3] =	sbarrier.arrive $0xFFFF  }
0x1fd: {  	_ =	shalt  }

</sc_bundles>
